<compile_context>
chip_gen: v7x
topology: tpu7x:2x2x1
jax: 0.10.2.dev20260603
libtpu: 0.0.44.dev20260713+nightly
codegen_flags: <defaults>
</compile_context>

<pallas_src>
import jax
import jax.numpy as jnp
from jax import lax
from jax.experimental import pallas as pl
from jax.experimental.pallas import tpu as pltpu
from jax.experimental.pallas import tpu_sc as plsc

BATCH = 16384
VOCAB = 1000
EMBED = 16
BLOCK_N = 2048

SC_BATCH = 2048
TC_BATCH = BATCH - SC_BATCH
NSUB = 16
SC_COLS = SC_BATCH // NSUB
CHUNK_R = 200
NCHUNK = VOCAB // CHUNK_R


def _tc_body(w_ref, x_ref, o_ref):
    wb = w_ref[...].astype(jnp.bfloat16)
    xb = x_ref[...].astype(jnp.bfloat16)
    o_ref[...] = jax.lax.dot_general(
        wb, xb,
        dimension_numbers=(((1,), (0,)), ((), ())),
        preferred_element_type=jnp.float32,
        precision=jax.lax.Precision.DEFAULT,
    )


def _sc_body(x_hbm, w_hbm, o_hbm, buf, idx_v, rows_v, sems, gsem):
    wid = lax.axis_index("s")
    c0 = TC_BATCH + wid * SC_COLS

    def start(rc, b):
        pltpu.async_copy(
            x_hbm.at[pl.ds(rc * CHUNK_R, CHUNK_R), pl.ds(c0, SC_COLS)],
            buf.at[b],
            sems.at[b],
        )

    start(0, 0)
    accs = [jnp.zeros((16,), jnp.float32) for _ in range(8)]
    for rc in range(NCHUNK):
        b = rc % 2
        if rc + 1 < NCHUNK:
            start(rc + 1, (rc + 1) % 2)
        pltpu.make_async_copy(
            x_hbm.at[pl.ds(rc * CHUNK_R, CHUNK_R), pl.ds(c0, SC_COLS)],
            buf.at[b],
            sems.at[b],
        ).wait()

        def dec(v, acc):
            vf = (rc * CHUNK_R + v).astype(jnp.float32)
            vb = jnp.full((16,), vf, jnp.float32)
            return tuple(
                acc[j] + buf[b, v, pl.ds(16 * j, 16)] * vb for j in range(8)
            )

        accs = lax.fori_loop(0, CHUNK_R, dec, tuple(accs))
        accs = list(accs)

    for j in range(8):
        idx_v[pl.ds(16 * j, 16)] = accs[j].astype(jnp.int32)

    pltpu.async_copy(w_hbm.at[idx_v], rows_v, gsem).wait()
    pltpu.sync_copy(rows_v, o_hbm.at[pl.ds(wid * SC_COLS, SC_COLS), :])


WPAD = 128


def kernel(one_hot, weight):
    x_t = one_hot.T
    w_t = weight.T
    grid = (TC_BATCH // BLOCK_N,)
    sc_out = pl.kernel(
        _sc_body,
        out_type=jax.ShapeDtypeStruct((SC_BATCH, WPAD), jnp.float32),
        mesh=plsc.VectorSubcoreMesh(
            core_axis_name="c", subcore_axis_name="s", num_cores=1
        ),
        scratch_types=[
            pltpu.VMEM((2, CHUNK_R, SC_COLS), jnp.float32),
            pltpu.VMEM((SC_COLS,), jnp.int32),
            pltpu.VMEM((SC_COLS, WPAD), jnp.float32),
            pltpu.SemaphoreType.DMA((2,)),
            pltpu.SemaphoreType.DMA,
        ],
    )(x_t, jnp.pad(weight, ((0, 0), (0, WPAD - EMBED))))

    out_t = pl.pallas_call(
        _tc_body,
        grid=grid,
        in_specs=[
            pl.BlockSpec((EMBED, VOCAB), lambda i: (0, 0)),
            pl.BlockSpec((VOCAB, BLOCK_N), lambda i: (0, i)),
        ],
        out_specs=pl.BlockSpec((EMBED, BLOCK_N), lambda i: (0, i)),
        out_shape=jax.ShapeDtypeStruct((EMBED, TC_BATCH), jnp.float32),
        compiler_params=pltpu.CompilerParams(
            dimension_semantics=("arbitrary",),
        ),
    )(w_t, x_t)

    return jnp.concatenate([out_t.T, sc_out[:, :EMBED]], axis=0)

# --- scband reference (transcript-rebuilt; emitter-appended) ---
"""Pipeline reference for scband-reve-position-bank-wrapper-22471268892727 (READ-ONLY COPY).

The authoritative reference and input builder live on the scoring server;
editing this copy changes nothing except your own understanding.
"""

import jax, jax.numpy as jnp
import numpy as np

VOCAB = 1000
EMBED_DIM = 16
BATCH = 16384

def setup_inputs(seed: int = 0) -> dict:
    key = jax.random.key(seed)
    k1, k2 = jax.random.split(key)
    # The module consumes one-hot encoded position indices for XLA traceability.
    idx = jax.random.randint(k1, (BATCH,), 0, VOCAB)
    one_hot = jax.nn.one_hot(idx, VOCAB, dtype=jnp.float32)
    # Learned/registered embedding buffer of shape [vocab, embed_dim]
    weight = jax.random.normal(k2, (VOCAB, EMBED_DIM), dtype=jnp.float32)
    return {"one_hot": one_hot, "weight": weight}

def reference(one_hot, weight):
    # Faithful translation of forward: one_hot @ self.weight
    return one_hot @ weight

if __name__ == "__main__":
    import jax
    _d = setup_inputs()
    print(jax.jit(kernel)(*tuple(_d.values())))

</pallas_src>

<mosaic_0001>
#map = affine_map<(d0, d1) -> (0, 0)>
module attributes {stable_mosaic.version = 14 : i64} {
  func.func @_sc_body(%arg0: i32, %arg1: i32, %arg2: memref<1000x16384xf32, #tpu.memory_space<hbm>>, %arg3: memref<1000x128xf32, #tpu.memory_space<hbm>>, %arg4: memref<2048x128xf32, #tpu.memory_space<hbm>>, %arg5: memref<2x200x128xf32, #tpu.memory_space<vmem>>, %arg6: memref<128xi32, #tpu.memory_space<vmem>>, %arg7: memref<128x128xf32, #tpu.memory_space<vmem>>, %arg8: memref<2x!tpu.dma_semaphore, #tpu.memory_space<semaphore_mem>>, %arg9: memref<!tpu.dma_semaphore, #tpu.memory_space<semaphore_mem>>) attributes {dimension_semantics = [#tpu.dimension_semantics<core_parallel>, #tpu.dimension_semantics<subcore_parallel>], iteration_bounds = array<i64: 1, 16>, scalar_prefetch = 0 : i64, scratch_operands = 5 : i64, tpu.core_type = #tpu.core_type<sc_vector_subcore>, window_params = [{transform_indices = #map}, {transform_indices = #map}, {transform_indices = #map}]} {
    %mul3A = arith.constant 128 : i32
    %mul3A_0 = arith.muli %arg1, %mul3A : i32
    %add3A = arith.constant 14336 : i32
    %add3A_1 = arith.addi %add3A, %mul3A_0 : i32
    %dma_start3A = arith.constant 0 : i32
    %dma_start3A_2 = arith.constant 0 : i32
    %dma_start3A_3 = arith.constant 0 : i32
    %dma_start3A_4 = arith.constant 0 : i32
    %dma_start3A_5 = tpu.memref_slice %arg5[%dma_start3A, %dma_start3A_3, %dma_start3A_4] : memref<2x200x128xf32, #tpu.memory_space<vmem>> -> memref<1x200x128xf32, #tpu.memory_space<vmem>>
    %dma_start3A_6 = tpu.memref_squeeze %dma_start3A_5 : memref<1x200x128xf32, #tpu.memory_space<vmem>> -> memref<200x128xf32, #tpu.memory_space<vmem>>
    %dma_start3A_7 = arith.constant 0 : i32
    %dma_start3A_8 = tpu.memref_slice %arg2[%dma_start3A_7, %add3A_1] : memref<1000x16384xf32, #tpu.memory_space<hbm>> -> memref<200x128xf32, #tpu.memory_space<hbm>>
    %dma_start3A_9 = tpu.memref_slice %arg8[%dma_start3A_2] : memref<2x!tpu.dma_semaphore, #tpu.memory_space<semaphore_mem>> -> memref<1x!tpu.dma_semaphore, #tpu.memory_space<semaphore_mem>>
    %dma_start3A_10 = tpu.memref_squeeze %dma_start3A_9 : memref<1x!tpu.dma_semaphore, #tpu.memory_space<semaphore_mem>> -> memref<!tpu.dma_semaphore, #tpu.memory_space<semaphore_mem>>
    %dma_start3A_11 = arith.constant 0 : i32
    %dma_start3A_12 = arith.constant 0 : i32
    %dma_start3A_13 = tpu.memref_slice %arg5[%dma_start3A, %dma_start3A_11, %dma_start3A_12] : memref<2x200x128xf32, #tpu.memory_space<vmem>> -> memref<1x200x128xf32, #tpu.memory_space<vmem>>
    %dma_start3A_14 = tpu.memref_squeeze %dma_start3A_13 : memref<1x200x128xf32, #tpu.memory_space<vmem>> -> memref<200x128xf32, #tpu.memory_space<vmem>>
    %dma_start3A_15 = arith.constant 0 : i32
    %dma_start3A_16 = tpu.memref_slice %arg2[%dma_start3A_15, %add3A_1] : memref<1000x16384xf32, #tpu.memory_space<hbm>> -> memref<200x128xf32, #tpu.memory_space<hbm>>
    tpu.enqueue_dma source(%dma_start3A_16 : memref<200x128xf32, #tpu.memory_space<hbm>>) target(%dma_start3A_14 : memref<200x128xf32, #tpu.memory_space<vmem>>) target_semaphore(%dma_start3A_10 : memref<!tpu.dma_semaphore, #tpu.memory_space<semaphore_mem>>)
    %broadcast_in_dim3A = arith.constant 0.000000e+00 : f32
    %broadcast_in_dim3A_17 = vector.broadcast %broadcast_in_dim3A : f32 to vector<16xf32>
    %broadcast_in_dim3A_18 = arith.constant 0.000000e+00 : f32
    %broadcast_in_dim3A_19 = vector.broadcast %broadcast_in_dim3A_18 : f32 to vector<16xf32>
    %broadcast_in_dim3A_20 = arith.constant 0.000000e+00 : f32
    %broadcast_in_dim3A_21 = vector.broadcast %broadcast_in_dim3A_20 : f32 to vector<16xf32>
    %broadcast_in_dim3A_22 = arith.constant 0.000000e+00 : f32
    %broadcast_in_dim3A_23 = vector.broadcast %broadcast_in_dim3A_22 : f32 to vector<16xf32>
    %broadcast_in_dim3A_24 = arith.constant 0.000000e+00 : f32
    %broadcast_in_dim3A_25 = vector.broadcast %broadcast_in_dim3A_24 : f32 to vector<16xf32>
    %broadcast_in_dim3A_26 = arith.constant 0.000000e+00 : f32
    %broadcast_in_dim3A_27 = vector.broadcast %broadcast_in_dim3A_26 : f32 to vector<16xf32>
    %broadcast_in_dim3A_28 = arith.constant 0.000000e+00 : f32
    %broadcast_in_dim3A_29 = vector.broadcast %broadcast_in_dim3A_28 : f32 to vector<16xf32>
    %broadcast_in_dim3A_30 = arith.constant 0.000000e+00 : f32
    %broadcast_in_dim3A_31 = vector.broadcast %broadcast_in_dim3A_30 : f32 to vector<16xf32>
    %dma_start3A_32 = arith.constant 1 : i32
    %dma_start3A_33 = arith.constant 1 : i32
    %dma_start3A_34 = arith.constant 0 : i32
    %dma_start3A_35 = arith.constant 0 : i32
    %dma_start3A_36 = tpu.memref_slice %arg5[%dma_start3A_32, %dma_start3A_34, %dma_start3A_35] : memref<2x200x128xf32, #tpu.memory_space<vmem>> -> memref<1x200x128xf32, #tpu.memory_space<vmem>>
    %dma_start3A_37 = tpu.memref_squeeze %dma_start3A_36 : memref<1x200x128xf32, #tpu.memory_space<vmem>> -> memref<200x128xf32, #tpu.memory_space<vmem>>
    %dma_start3A_38 = arith.constant 200 : i32
    %dma_start3A_39 = tpu.memref_slice %arg2[%dma_start3A_38, %add3A_1] : memref<1000x16384xf32, #tpu.memory_space<hbm>> -> memref<200x128xf32, #tpu.memory_space<hbm>>
    %dma_start3A_40 = tpu.memref_slice %arg8[%dma_start3A_33] : memref<2x!tpu.dma_semaphore, #tpu.memory_space<semaphore_mem>> -> memref<1x!tpu.dma_semaphore, #tpu.memory_space<semaphore_mem>>
    %dma_start3A_41 = tpu.memref_squeeze %dma_start3A_40 : memref<1x!tpu.dma_semaphore, #tpu.memory_space<semaphore_mem>> -> memref<!tpu.dma_semaphore, #tpu.memory_space<semaphore_mem>>
    %dma_start3A_42 = arith.constant 0 : i32
    %dma_start3A_43 = arith.constant 0 : i32
    %dma_start3A_44 = tpu.memref_slice %arg5[%dma_start3A_32, %dma_start3A_42, %dma_start3A_43] : memref<2x200x128xf32, #tpu.memory_space<vmem>> -> memref<1x200x128xf32, #tpu.memory_space<vmem>>
    %dma_start3A_45 = tpu.memref_squeeze %dma_start3A_44 : memref<1x200x128xf32, #tpu.memory_space<vmem>> -> memref<200x128xf32, #tpu.memory_space<vmem>>
    %dma_start3A_46 = arith.constant 200 : i32
    %dma_start3A_47 = tpu.memref_slice %arg2[%dma_start3A_46, %add3A_1] : memref<1000x16384xf32, #tpu.memory_space<hbm>> -> memref<200x128xf32, #tpu.memory_space<hbm>>
    tpu.enqueue_dma source(%dma_start3A_47 : memref<200x128xf32, #tpu.memory_space<hbm>>) target(%dma_start3A_45 : memref<200x128xf32, #tpu.memory_space<vmem>>) target_semaphore(%dma_start3A_41 : memref<!tpu.dma_semaphore, #tpu.memory_space<semaphore_mem>>)
    %dma_wait3A = arith.constant 0 : i32
    %dma_wait3A_48 = arith.constant 0 : i32
    %dma_wait3A_49 = arith.constant 0 : i32
    %dma_wait3A_50 = arith.constant 0 : i32
    %dma_wait3A_51 = tpu.memref_slice %arg5[%dma_wait3A, %dma_wait3A_49, %dma_wait3A_50] : memref<2x200x128xf32, #tpu.memory_space<vmem>> -> memref<1x200x128xf32, #tpu.memory_space<vmem>>
    %dma_wait3A_52 = tpu.memref_squeeze %dma_wait3A_51 : memref<1x200x128xf32, #tpu.memory_space<vmem>> -> memref<200x128xf32, #tpu.memory_space<vmem>>
    %dma_wait3A_53 = arith.constant 0 : i32
    %dma_wait3A_54 = tpu.memref_slice %arg2[%dma_wait3A_53, %add3A_1] : memref<1000x16384xf32, #tpu.memory_space<hbm>> -> memref<200x128xf32, #tpu.memory_space<hbm>>
    %dma_wait3A_55 = tpu.memref_slice %arg8[%dma_wait3A_48] : memref<2x!tpu.dma_semaphore, #tpu.memory_space<semaphore_mem>> -> memref<1x!tpu.dma_semaphore, #tpu.memory_space<semaphore_mem>>
    %dma_wait3A_56 = tpu.memref_squeeze %dma_wait3A_55 : memref<1x!tpu.dma_semaphore, #tpu.memory_space<semaphore_mem>> -> memref<!tpu.dma_semaphore, #tpu.memory_space<semaphore_mem>>
    %dma_wait3A_57 = arith.constant 0 : i32
    %dma_wait3A_58 = arith.constant 0 : i32
    %dma_wait3A_59 = tpu.memref_slice %arg5[%dma_wait3A, %dma_wait3A_57, %dma_wait3A_58] : memref<2x200x128xf32, #tpu.memory_space<vmem>> -> memref<1x200x128xf32, #tpu.memory_space<vmem>>
    %dma_wait3A_60 = tpu.memref_squeeze %dma_wait3A_59 : memref<1x200x128xf32, #tpu.memory_space<vmem>> -> memref<200x128xf32, #tpu.memory_space<vmem>>
    %dma_wait3A_61 = arith.constant 0 : i32
    %dma_wait3A_62 = tpu.memref_slice %arg2[%dma_wait3A_61, %add3A_1] : memref<1000x16384xf32, #tpu.memory_space<hbm>> -> memref<200x128xf32, #tpu.memory_space<hbm>>
    tpu.wait_dma2 semaphore(%dma_wait3A_56 : memref<!tpu.dma_semaphore, #tpu.memory_space<semaphore_mem>>) src(%dma_wait3A_62 : memref<200x128xf32, #tpu.memory_space<hbm>>) dst(%dma_wait3A_60 : memref<200x128xf32, #tpu.memory_space<vmem>>)
    %scan3A = arith.constant 0 : i32
    %scan3A_63 = arith.constant 200 : i32
    %scan3A_64 = arith.addi %scan3A, %scan3A_63 : i32
    %scan3A_65 = arith.constant 1 : i32
    %scan3A_66:8 = scf.for %scan3A_250 = %scan3A to %scan3A_64 step %scan3A_65 iter_args(%scan3A_251 = %broadcast_in_dim3A_17, %scan3A_252 = %broadcast_in_dim3A_19, %scan3A_253 = %broadcast_in_dim3A_21, %scan3A_254 = %broadcast_in_dim3A_23, %scan3A_255 = %broadcast_in_dim3A_25, %scan3A_256 = %broadcast_in_dim3A_27, %scan3A_257 = %broadcast_in_dim3A_29, %scan3A_258 = %broadcast_in_dim3A_31) -> (vector<16xf32>, vector<16xf32>, vector<16xf32>, vector<16xf32>, vector<16xf32>, vector<16xf32>, vector<16xf32>, vector<16xf32>)  : i32 {
      %add3A_259 = arith.constant 0 : i32
      %add3A_260 = arith.addi %add3A_259, %scan3A_250 : i32
      %convert_element_type3A_261 = arith.sitofp %add3A_260 : i32 to f32
      %broadcast_in_dim3A_262 = vector.broadcast %convert_element_type3A_261 : f32 to vector<16xf32>
      %get3A = arith.constant 0 : i32
      %get3A_263 = arith.index_cast %get3A : i32 to index
      %get3A_264 = arith.index_cast %scan3A_250 : i32 to index
      %get3A_265 = arith.constant 0 : index
      %get3A_266 = tpu.vector_load %arg5[%get3A_263, %get3A_264, %get3A_265] {strides = array<i32>} : memref<2x200x128xf32, #tpu.memory_space<vmem>>, vector<1x1x16xf32>,
      %get3A_267 = vector.shape_cast %get3A_266 : vector<1x1x16xf32> to vector<16xf32>
      %mul3A_268 = arith.mulf %get3A_267, %broadcast_in_dim3A_262 : vector<16xf32>
      %add3A_269 = arith.addf %scan3A_251, %mul3A_268 : vector<16xf32>
      %get3A_270 = arith.constant 0 : i32
      %get3A_271 = arith.index_cast %get3A_270 : i32 to index
      %get3A_272 = arith.index_cast %scan3A_250 : i32 to index
      %get3A_273 = arith.constant 16 : index
      %get3A_274 = tpu.vector_load %arg5[%get3A_271, %get3A_272, %get3A_273] {strides = array<i32>} : memref<2x200x128xf32, #tpu.memory_space<vmem>>, vector<1x1x16xf32>,
      %get3A_275 = vector.shape_cast %get3A_274 : vector<1x1x16xf32> to vector<16xf32>
      %mul3A_276 = arith.mulf %get3A_275, %broadcast_in_dim3A_262 : vector<16xf32>
      %add3A_277 = arith.addf %scan3A_252, %mul3A_276 : vector<16xf32>
      %get3A_278 = arith.constant 0 : i32
      %get3A_279 = arith.index_cast %get3A_278 : i32 to index
      %get3A_280 = arith.index_cast %scan3A_250 : i32 to index
      %get3A_281 = arith.constant 32 : index
      %get3A_282 = tpu.vector_load %arg5[%get3A_279, %get3A_280, %get3A_281] {strides = array<i32>} : memref<2x200x128xf32, #tpu.memory_space<vmem>>, vector<1x1x16xf32>,
      %get3A_283 = vector.shape_cast %get3A_282 : vector<1x1x16xf32> to vector<16xf32>
      %mul3A_284 = arith.mulf %get3A_283, %broadcast_in_dim3A_262 : vector<16xf32>
      %add3A_285 = arith.addf %scan3A_253, %mul3A_284 : vector<16xf32>
      %get3A_286 = arith.constant 0 : i32
      %get3A_287 = arith.index_cast %get3A_286 : i32 to index
      %get3A_288 = arith.index_cast %scan3A_250 : i32 to index
      %get3A_289 = arith.constant 48 : index
      %get3A_290 = tpu.vector_load %arg5[%get3A_287, %get3A_288, %get3A_289] {strides = array<i32>} : memref<2x200x128xf32, #tpu.memory_space<vmem>>, vector<1x1x16xf32>,
      %get3A_291 = vector.shape_cast %get3A_290 : vector<1x1x16xf32> to vector<16xf32>
      %mul3A_292 = arith.mulf %get3A_291, %broadcast_in_dim3A_262 : vector<16xf32>
      %add3A_293 = arith.addf %scan3A_254, %mul3A_292 : vector<16xf32>
      %get3A_294 = arith.constant 0 : i32
      %get3A_295 = arith.index_cast %get3A_294 : i32 to index
      %get3A_296 = arith.index_cast %scan3A_250 : i32 to index
      %get3A_297 = arith.constant 64 : index
      %get3A_298 = tpu.vector_load %arg5[%get3A_295, %get3A_296, %get3A_297] {strides = array<i32>} : memref<2x200x128xf32, #tpu.memory_space<vmem>>, vector<1x1x16xf32>,
      %get3A_299 = vector.shape_cast %get3A_298 : vector<1x1x16xf32> to vector<16xf32>
      %mul3A_300 = arith.mulf %get3A_299, %broadcast_in_dim3A_262 : vector<16xf32>
      %add3A_301 = arith.addf %scan3A_255, %mul3A_300 : vector<16xf32>
      %get3A_302 = arith.constant 0 : i32
      %get3A_303 = arith.index_cast %get3A_302 : i32 to index
      %get3A_304 = arith.index_cast %scan3A_250 : i32 to index
      %get3A_305 = arith.constant 80 : index
      %get3A_306 = tpu.vector_load %arg5[%get3A_303, %get3A_304, %get3A_305] {strides = array<i32>} : memref<2x200x128xf32, #tpu.memory_space<vmem>>, vector<1x1x16xf32>,
      %get3A_307 = vector.shape_cast %get3A_306 : vector<1x1x16xf32> to vector<16xf32>
      %mul3A_308 = arith.mulf %get3A_307, %broadcast_in_dim3A_262 : vector<16xf32>
      %add3A_309 = arith.addf %scan3A_256, %mul3A_308 : vector<16xf32>
      %get3A_310 = arith.constant 0 : i32
      %get3A_311 = arith.index_cast %get3A_310 : i32 to index
      %get3A_312 = arith.index_cast %scan3A_250 : i32 to index
      %get3A_313 = arith.constant 96 : index
      %get3A_314 = tpu.vector_load %arg5[%get3A_311, %get3A_312, %get3A_313] {strides = array<i32>} : memref<2x200x128xf32, #tpu.memory_space<vmem>>, vector<1x1x16xf32>,
      %get3A_315 = vector.shape_cast %get3A_314 : vector<1x1x16xf32> to vector<16xf32>
      %mul3A_316 = arith.mulf %get3A_315, %broadcast_in_dim3A_262 : vector<16xf32>
      %add3A_317 = arith.addf %scan3A_257, %mul3A_316 : vector<16xf32>
      %get3A_318 = arith.constant 0 : i32
      %get3A_319 = arith.index_cast %get3A_318 : i32 to index
      %get3A_320 = arith.index_cast %scan3A_250 : i32 to index
      %get3A_321 = arith.constant 112 : index
      %get3A_322 = tpu.vector_load %arg5[%get3A_319, %get3A_320, %get3A_321] {strides = array<i32>} : memref<2x200x128xf32, #tpu.memory_space<vmem>>, vector<1x1x16xf32>,
      %get3A_323 = vector.shape_cast %get3A_322 : vector<1x1x16xf32> to vector<16xf32>
      %mul3A_324 = arith.mulf %get3A_323, %broadcast_in_dim3A_262 : vector<16xf32>
      %add3A_325 = arith.addf %scan3A_258, %mul3A_324 : vector<16xf32>
      scf.yield %add3A_269, %add3A_277, %add3A_285, %add3A_293, %add3A_301, %add3A_309, %add3A_317, %add3A_325 : vector<16xf32>, vector<16xf32>, vector<16xf32>, vector<16xf32>, vector<16xf32>, vector<16xf32>, vector<16xf32>, vector<16xf32>
    }
    %scan3A_67 = arith.constant 200 : i32
    %dma_start3A_68 = arith.constant 0 : i32
    %dma_start3A_69 = arith.constant 0 : i32
    %dma_start3A_70 = arith.constant 0 : i32
    %dma_start3A_71 = arith.constant 0 : i32
    %dma_start3A_72 = tpu.memref_slice %arg5[%dma_start3A_68, %dma_start3A_70, %dma_start3A_71] : memref<2x200x128xf32, #tpu.memory_space<vmem>> -> memref<1x200x128xf32, #tpu.memory_space<vmem>>
    %dma_start3A_73 = tpu.memref_squeeze %dma_start3A_72 : memref<1x200x128xf32, #tpu.memory_space<vmem>> -> memref<200x128xf32, #tpu.memory_space<vmem>>
    %dma_start3A_74 = arith.constant 400 : i32
    %dma_start3A_75 = tpu.memref_slice %arg2[%dma_start3A_74, %add3A_1] : memref<1000x16384xf32, #tpu.memory_space<hbm>> -> memref<200x128xf32, #tpu.memory_space<hbm>>
    %dma_start3A_76 = tpu.memref_slice %arg8[%dma_start3A_69] : memref<2x!tpu.dma_semaphore, #tpu.memory_space<semaphore_mem>> -> memref<1x!tpu.dma_semaphore, #tpu.memory_space<semaphore_mem>>
    %dma_start3A_77 = tpu.memref_squeeze %dma_start3A_76 : memref<1x!tpu.dma_semaphore, #tpu.memory_space<semaphore_mem>> -> memref<!tpu.dma_semaphore, #tpu.memory_space<semaphore_mem>>
    %dma_start3A_78 = arith.constant 0 : i32
    %dma_start3A_79 = arith.constant 0 : i32
    %dma_start3A_80 = tpu.memref_slice %arg5[%dma_start3A_68, %dma_start3A_78, %dma_start3A_79] : memref<2x200x128xf32, #tpu.memory_space<vmem>> -> memref<1x200x128xf32, #tpu.memory_space<vmem>>
    %dma_start3A_81 = tpu.memref_squeeze %dma_start3A_80 : memref<1x200x128xf32, #tpu.memory_space<vmem>> -> memref<200x128xf32, #tpu.memory_space<vmem>>
    %dma_start3A_82 = arith.constant 400 : i32
    %dma_start3A_83 = tpu.memref_slice %arg2[%dma_start3A_82, %add3A_1] : memref<1000x16384xf32, #tpu.memory_space<hbm>> -> memref<200x128xf32, #tpu.memory_space<hbm>>
    tpu.enqueue_dma source(%dma_start3A_83 : memref<200x128xf32, #tpu.memory_space<hbm>>) target(%dma_start3A_81 : memref<200x128xf32, #tpu.memory_space<vmem>>) target_semaphore(%dma_start3A_77 : memref<!tpu.dma_semaphore, #tpu.memory_space<semaphore_mem>>)
    %dma_wait3A_84 = arith.constant 1 : i32
    %dma_wait3A_85 = arith.constant 1 : i32
    %dma_wait3A_86 = arith.constant 0 : i32
    %dma_wait3A_87 = arith.constant 0 : i32
    %dma_wait3A_88 = tpu.memref_slice %arg5[%dma_wait3A_84, %dma_wait3A_86, %dma_wait3A_87] : memref<2x200x128xf32, #tpu.memory_space<vmem>> -> memref<1x200x128xf32, #tpu.memory_space<vmem>>
    %dma_wait3A_89 = tpu.memref_squeeze %dma_wait3A_88 : memref<1x200x128xf32, #tpu.memory_space<vmem>> -> memref<200x128xf32, #tpu.memory_space<vmem>>
    %dma_wait3A_90 = arith.constant 200 : i32
    %dma_wait3A_91 = tpu.memref_slice %arg2[%dma_wait3A_90, %add3A_1] : memref<1000x16384xf32, #tpu.memory_space<hbm>> -> memref<200x128xf32, #tpu.memory_space<hbm>>
    %dma_wait3A_92 = tpu.memref_slice %arg8[%dma_wait3A_85] : memref<2x!tpu.dma_semaphore, #tpu.memory_space<semaphore_mem>> -> memref<1x!tpu.dma_semaphore, #tpu.memory_space<semaphore_mem>>
    %dma_wait3A_93 = tpu.memref_squeeze %dma_wait3A_92 : memref<1x!tpu.dma_semaphore, #tpu.memory_space<semaphore_mem>> -> memref<!tpu.dma_semaphore, #tpu.memory_space<semaphore_mem>>
    %dma_wait3A_94 = arith.constant 0 : i32
    %dma_wait3A_95 = arith.constant 0 : i32
    %dma_wait3A_96 = tpu.memref_slice %arg5[%dma_wait3A_84, %dma_wait3A_94, %dma_wait3A_95] : memref<2x200x128xf32, #tpu.memory_space<vmem>> -> memref<1x200x128xf32, #tpu.memory_space<vmem>>
    %dma_wait3A_97 = tpu.memref_squeeze %dma_wait3A_96 : memref<1x200x128xf32, #tpu.memory_space<vmem>> -> memref<200x128xf32, #tpu.memory_space<vmem>>
    %dma_wait3A_98 = arith.constant 200 : i32
    %dma_wait3A_99 = tpu.memref_slice %arg2[%dma_wait3A_98, %add3A_1] : memref<1000x16384xf32, #tpu.memory_space<hbm>> -> memref<200x128xf32, #tpu.memory_space<hbm>>
    tpu.wait_dma2 semaphore(%dma_wait3A_93 : memref<!tpu.dma_semaphore, #tpu.memory_space<semaphore_mem>>) src(%dma_wait3A_99 : memref<200x128xf32, #tpu.memory_space<hbm>>) dst(%dma_wait3A_97 : memref<200x128xf32, #tpu.memory_space<vmem>>)
    %scan3A_100 = arith.constant 0 : i32
    %scan3A_101 = arith.constant 200 : i32
    %scan3A_102 = arith.addi %scan3A_100, %scan3A_101 : i32
    %scan3A_103 = arith.constant 1 : i32
    %scan3A_104:8 = scf.for %scan3A_250 = %scan3A_100 to %scan3A_102 step %scan3A_103 iter_args(%scan3A_251 = %scan3A_66#0, %scan3A_252 = %scan3A_66#1, %scan3A_253 = %scan3A_66#2, %scan3A_254 = %scan3A_66#3, %scan3A_255 = %scan3A_66#4, %scan3A_256 = %scan3A_66#5, %scan3A_257 = %scan3A_66#6, %scan3A_258 = %scan3A_66#7) -> (vector<16xf32>, vector<16xf32>, vector<16xf32>, vector<16xf32>, vector<16xf32>, vector<16xf32>, vector<16xf32>, vector<16xf32>)  : i32 {
      %add3A_259 = arith.constant 200 : i32
      %add3A_260 = arith.addi %add3A_259, %scan3A_250 : i32
      %convert_element_type3A_261 = arith.sitofp %add3A_260 : i32 to f32
      %broadcast_in_dim3A_262 = vector.broadcast %convert_element_type3A_261 : f32 to vector<16xf32>
      %get3A = arith.constant 1 : i32
      %get3A_263 = arith.index_cast %get3A : i32 to index
      %get3A_264 = arith.index_cast %scan3A_250 : i32 to index
      %get3A_265 = arith.constant 0 : index
      %get3A_266 = tpu.vector_load %arg5[%get3A_263, %get3A_264, %get3A_265] {strides = array<i32>} : memref<2x200x128xf32, #tpu.memory_space<vmem>>, vector<1x1x16xf32>,
      %get3A_267 = vector.shape_cast %get3A_266 : vector<1x1x16xf32> to vector<16xf32>
      %mul3A_268 = arith.mulf %get3A_267, %broadcast_in_dim3A_262 : vector<16xf32>
      %add3A_269 = arith.addf %scan3A_251, %mul3A_268 : vector<16xf32>
      %get3A_270 = arith.constant 1 : i32
      %get3A_271 = arith.index_cast %get3A_270 : i32 to index
      %get3A_272 = arith.index_cast %scan3A_250 : i32 to index
      %get3A_273 = arith.constant 16 : index
      %get3A_274 = tpu.vector_load %arg5[%get3A_271, %get3A_272, %get3A_273] {strides = array<i32>} : memref<2x200x128xf32, #tpu.memory_space<vmem>>, vector<1x1x16xf32>,
      %get3A_275 = vector.shape_cast %get3A_274 : vector<1x1x16xf32> to vector<16xf32>
      %mul3A_276 = arith.mulf %get3A_275, %broadcast_in_dim3A_262 : vector<16xf32>
      %add3A_277 = arith.addf %scan3A_252, %mul3A_276 : vector<16xf32>
      %get3A_278 = arith.constant 1 : i32
      %get3A_279 = arith.index_cast %get3A_278 : i32 to index
      %get3A_280 = arith.index_cast %scan3A_250 : i32 to index
      %get3A_281 = arith.constant 32 : index
      %get3A_282 = tpu.vector_load %arg5[%get3A_279, %get3A_280, %get3A_281] {strides = array<i32>} : memref<2x200x128xf32, #tpu.memory_space<vmem>>, vector<1x1x16xf32>,
      %get3A_283 = vector.shape_cast %get3A_282 : vector<1x1x16xf32> to vector<16xf32>
      %mul3A_284 = arith.mulf %get3A_283, %broadcast_in_dim3A_262 : vector<16xf32>
      %add3A_285 = arith.addf %scan3A_253, %mul3A_284 : vector<16xf32>
      %get3A_286 = arith.constant 1 : i32
      %get3A_287 = arith.index_cast %get3A_286 : i32 to index
      %get3A_288 = arith.index_cast %scan3A_250 : i32 to index
      %get3A_289 = arith.constant 48 : index
      %get3A_290 = tpu.vector_load %arg5[%get3A_287, %get3A_288, %get3A_289] {strides = array<i32>} : memref<2x200x128xf32, #tpu.memory_space<vmem>>, vector<1x1x16xf32>,
      %get3A_291 = vector.shape_cast %get3A_290 : vector<1x1x16xf32> to vector<16xf32>
      %mul3A_292 = arith.mulf %get3A_291, %broadcast_in_dim3A_262 : vector<16xf32>
      %add3A_293 = arith.addf %scan3A_254, %mul3A_292 : vector<16xf32>
      %get3A_294 = arith.constant 1 : i32
      %get3A_295 = arith.index_cast %get3A_294 : i32 to index
      %get3A_296 = arith.index_cast %scan3A_250 : i32 to index
      %get3A_297 = arith.constant 64 : index
      %get3A_298 = tpu.vector_load %arg5[%get3A_295, %get3A_296, %get3A_297] {strides = array<i32>} : memref<2x200x128xf32, #tpu.memory_space<vmem>>, vector<1x1x16xf32>,
      %get3A_299 = vector.shape_cast %get3A_298 : vector<1x1x16xf32> to vector<16xf32>
      %mul3A_300 = arith.mulf %get3A_299, %broadcast_in_dim3A_262 : vector<16xf32>
      %add3A_301 = arith.addf %scan3A_255, %mul3A_300 : vector<16xf32>
      %get3A_302 = arith.constant 1 : i32
      %get3A_303 = arith.index_cast %get3A_302 : i32 to index
      %get3A_304 = arith.index_cast %scan3A_250 : i32 to index
      %get3A_305 = arith.constant 80 : index
      %get3A_306 = tpu.vector_load %arg5[%get3A_303, %get3A_304, %get3A_305] {strides = array<i32>} : memref<2x200x128xf32, #tpu.memory_space<vmem>>, vector<1x1x16xf32>,
      %get3A_307 = vector.shape_cast %get3A_306 : vector<1x1x16xf32> to vector<16xf32>
      %mul3A_308 = arith.mulf %get3A_307, %broadcast_in_dim3A_262 : vector<16xf32>
      %add3A_309 = arith.addf %scan3A_256, %mul3A_308 : vector<16xf32>
      %get3A_310 = arith.constant 1 : i32
      %get3A_311 = arith.index_cast %get3A_310 : i32 to index
      %get3A_312 = arith.index_cast %scan3A_250 : i32 to index
      %get3A_313 = arith.constant 96 : index
      %get3A_314 = tpu.vector_load %arg5[%get3A_311, %get3A_312, %get3A_313] {strides = array<i32>} : memref<2x200x128xf32, #tpu.memory_space<vmem>>, vector<1x1x16xf32>,
      %get3A_315 = vector.shape_cast %get3A_314 : vector<1x1x16xf32> to vector<16xf32>
      %mul3A_316 = arith.mulf %get3A_315, %broadcast_in_dim3A_262 : vector<16xf32>
      %add3A_317 = arith.addf %scan3A_257, %mul3A_316 : vector<16xf32>
      %get3A_318 = arith.constant 1 : i32
      %get3A_319 = arith.index_cast %get3A_318 : i32 to index
      %get3A_320 = arith.index_cast %scan3A_250 : i32 to index
      %get3A_321 = arith.constant 112 : index
      %get3A_322 = tpu.vector_load %arg5[%get3A_319, %get3A_320, %get3A_321] {strides = array<i32>} : memref<2x200x128xf32, #tpu.memory_space<vmem>>, vector<1x1x16xf32>,
      %get3A_323 = vector.shape_cast %get3A_322 : vector<1x1x16xf32> to vector<16xf32>
      %mul3A_324 = arith.mulf %get3A_323, %broadcast_in_dim3A_262 : vector<16xf32>
      %add3A_325 = arith.addf %scan3A_258, %mul3A_324 : vector<16xf32>
      scf.yield %add3A_269, %add3A_277, %add3A_285, %add3A_293, %add3A_301, %add3A_309, %add3A_317, %add3A_325 : vector<16xf32>, vector<16xf32>, vector<16xf32>, vector<16xf32>, vector<16xf32>, vector<16xf32>, vector<16xf32>, vector<16xf32>
    }
    %scan3A_105 = arith.constant 200 : i32
    %dma_start3A_106 = arith.constant 1 : i32
    %dma_start3A_107 = arith.constant 1 : i32
    %dma_start3A_108 = arith.constant 0 : i32
    %dma_start3A_109 = arith.constant 0 : i32
    %dma_start3A_110 = tpu.memref_slice %arg5[%dma_start3A_106, %dma_start3A_108, %dma_start3A_109] : memref<2x200x128xf32, #tpu.memory_space<vmem>> -> memref<1x200x128xf32, #tpu.memory_space<vmem>>
    %dma_start3A_111 = tpu.memref_squeeze %dma_start3A_110 : memref<1x200x128xf32, #tpu.memory_space<vmem>> -> memref<200x128xf32, #tpu.memory_space<vmem>>
    %dma_start3A_112 = arith.constant 600 : i32
    %dma_start3A_113 = tpu.memref_slice %arg2[%dma_start3A_112, %add3A_1] : memref<1000x16384xf32, #tpu.memory_space<hbm>> -> memref<200x128xf32, #tpu.memory_space<hbm>>
    %dma_start3A_114 = tpu.memref_slice %arg8[%dma_start3A_107] : memref<2x!tpu.dma_semaphore, #tpu.memory_space<semaphore_mem>> -> memref<1x!tpu.dma_semaphore, #tpu.memory_space<semaphore_mem>>
    %dma_start3A_115 = tpu.memref_squeeze %dma_start3A_114 : memref<1x!tpu.dma_semaphore, #tpu.memory_space<semaphore_mem>> -> memref<!tpu.dma_semaphore, #tpu.memory_space<semaphore_mem>>
    %dma_start3A_116 = arith.constant 0 : i32
    %dma_start3A_117 = arith.constant 0 : i32
    %dma_start3A_118 = tpu.memref_slice %arg5[%dma_start3A_106, %dma_start3A_116, %dma_start3A_117] : memref<2x200x128xf32, #tpu.memory_space<vmem>> -> memref<1x200x128xf32, #tpu.memory_space<vmem>>
    %dma_start3A_119 = tpu.memref_squeeze %dma_start3A_118 : memref<1x200x128xf32, #tpu.memory_space<vmem>> -> memref<200x128xf32, #tpu.memory_space<vmem>>
    %dma_start3A_120 = arith.constant 600 : i32
    %dma_start3A_121 = tpu.memref_slice %arg2[%dma_start3A_120, %add3A_1] : memref<1000x16384xf32, #tpu.memory_space<hbm>> -> memref<200x128xf32, #tpu.memory_space<hbm>>
    tpu.enqueue_dma source(%dma_start3A_121 : memref<200x128xf32, #tpu.memory_space<hbm>>) target(%dma_start3A_119 : memref<200x128xf32, #tpu.memory_space<vmem>>) target_semaphore(%dma_start3A_115 : memref<!tpu.dma_semaphore, #tpu.memory_space<semaphore_mem>>)
    %dma_wait3A_122 = arith.constant 0 : i32
    %dma_wait3A_123 = arith.constant 0 : i32
    %dma_wait3A_124 = arith.constant 0 : i32
    %dma_wait3A_125 = arith.constant 0 : i32
    %dma_wait3A_126 = tpu.memref_slice %arg5[%dma_wait3A_122, %dma_wait3A_124, %dma_wait3A_125] : memref<2x200x128xf32, #tpu.memory_space<vmem>> -> memref<1x200x128xf32, #tpu.memory_space<vmem>>
    %dma_wait3A_127 = tpu.memref_squeeze %dma_wait3A_126 : memref<1x200x128xf32, #tpu.memory_space<vmem>> -> memref<200x128xf32, #tpu.memory_space<vmem>>
    %dma_wait3A_128 = arith.constant 400 : i32
    %dma_wait3A_129 = tpu.memref_slice %arg2[%dma_wait3A_128, %add3A_1] : memref<1000x16384xf32, #tpu.memory_space<hbm>> -> memref<200x128xf32, #tpu.memory_space<hbm>>
    %dma_wait3A_130 = tpu.memref_slice %arg8[%dma_wait3A_123] : memref<2x!tpu.dma_semaphore, #tpu.memory_space<semaphore_mem>> -> memref<1x!tpu.dma_semaphore, #tpu.memory_space<semaphore_mem>>
    %dma_wait3A_131 = tpu.memref_squeeze %dma_wait3A_130 : memref<1x!tpu.dma_semaphore, #tpu.memory_space<semaphore_mem>> -> memref<!tpu.dma_semaphore, #tpu.memory_space<semaphore_mem>>
    %dma_wait3A_132 = arith.constant 0 : i32
    %dma_wait3A_133 = arith.constant 0 : i32
    %dma_wait3A_134 = tpu.memref_slice %arg5[%dma_wait3A_122, %dma_wait3A_132, %dma_wait3A_133] : memref<2x200x128xf32, #tpu.memory_space<vmem>> -> memref<1x200x128xf32, #tpu.memory_space<vmem>>
    %dma_wait3A_135 = tpu.memref_squeeze %dma_wait3A_134 : memref<1x200x128xf32, #tpu.memory_space<vmem>> -> memref<200x128xf32, #tpu.memory_space<vmem>>
    %dma_wait3A_136 = arith.constant 400 : i32
    %dma_wait3A_137 = tpu.memref_slice %arg2[%dma_wait3A_136, %add3A_1] : memref<1000x16384xf32, #tpu.memory_space<hbm>> -> memref<200x128xf32, #tpu.memory_space<hbm>>
    tpu.wait_dma2 semaphore(%dma_wait3A_131 : memref<!tpu.dma_semaphore, #tpu.memory_space<semaphore_mem>>) src(%dma_wait3A_137 : memref<200x128xf32, #tpu.memory_space<hbm>>) dst(%dma_wait3A_135 : memref<200x128xf32, #tpu.memory_space<vmem>>)
    %scan3A_138 = arith.constant 0 : i32
    %scan3A_139 = arith.constant 200 : i32
    %scan3A_140 = arith.addi %scan3A_138, %scan3A_139 : i32
    %scan3A_141 = arith.constant 1 : i32
    %scan3A_142:8 = scf.for %scan3A_250 = %scan3A_138 to %scan3A_140 step %scan3A_141 iter_args(%scan3A_251 = %scan3A_104#0, %scan3A_252 = %scan3A_104#1, %scan3A_253 = %scan3A_104#2, %scan3A_254 = %scan3A_104#3, %scan3A_255 = %scan3A_104#4, %scan3A_256 = %scan3A_104#5, %scan3A_257 = %scan3A_104#6, %scan3A_258 = %scan3A_104#7) -> (vector<16xf32>, vector<16xf32>, vector<16xf32>, vector<16xf32>, vector<16xf32>, vector<16xf32>, vector<16xf32>, vector<16xf32>)  : i32 {
      %add3A_259 = arith.constant 400 : i32
      %add3A_260 = arith.addi %add3A_259, %scan3A_250 : i32
      %convert_element_type3A_261 = arith.sitofp %add3A_260 : i32 to f32
      %broadcast_in_dim3A_262 = vector.broadcast %convert_element_type3A_261 : f32 to vector<16xf32>
      %get3A = arith.constant 0 : i32
      %get3A_263 = arith.index_cast %get3A : i32 to index
      %get3A_264 = arith.index_cast %scan3A_250 : i32 to index
      %get3A_265 = arith.constant 0 : index
      %get3A_266 = tpu.vector_load %arg5[%get3A_263, %get3A_264, %get3A_265] {strides = array<i32>} : memref<2x200x128xf32, #tpu.memory_space<vmem>>, vector<1x1x16xf32>,
      %get3A_267 = vector.shape_cast %get3A_266 : vector<1x1x16xf32> to vector<16xf32>
      %mul3A_268 = arith.mulf %get3A_267, %broadcast_in_dim3A_262 : vector<16xf32>
      %add3A_269 = arith.addf %scan3A_251, %mul3A_268 : vector<16xf32>
      %get3A_270 = arith.constant 0 : i32
      %get3A_271 = arith.index_cast %get3A_270 : i32 to index
      %get3A_272 = arith.index_cast %scan3A_250 : i32 to index
      %get3A_273 = arith.constant 16 : index
      %get3A_274 = tpu.vector_load %arg5[%get3A_271, %get3A_272, %get3A_273] {strides = array<i32>} : memref<2x200x128xf32, #tpu.memory_space<vmem>>, vector<1x1x16xf32>,
      %get3A_275 = vector.shape_cast %get3A_274 : vector<1x1x16xf32> to vector<16xf32>
      %mul3A_276 = arith.mulf %get3A_275, %broadcast_in_dim3A_262 : vector<16xf32>
      %add3A_277 = arith.addf %scan3A_252, %mul3A_276 : vector<16xf32>
      %get3A_278 = arith.constant 0 : i32
      %get3A_279 = arith.index_cast %get3A_278 : i32 to index
      %get3A_280 = arith.index_cast %scan3A_250 : i32 to index
      %get3A_281 = arith.constant 32 : index
      %get3A_282 = tpu.vector_load %arg5[%get3A_279, %get3A_280, %get3A_281] {strides = array<i32>} : memref<2x200x128xf32, #tpu.memory_space<vmem>>, vector<1x1x16xf32>,
      %get3A_283 = vector.shape_cast %get3A_282 : vector<1x1x16xf32> to vector<16xf32>
      %mul3A_284 = arith.mulf %get3A_283, %broadcast_in_dim3A_262 : vector<16xf32>
      %add3A_285 = arith.addf %scan3A_253, %mul3A_284 : vector<16xf32>
      %get3A_286 = arith.constant 0 : i32
      %get3A_287 = arith.index_cast %get3A_286 : i32 to index
      %get3A_288 = arith.index_cast %scan3A_250 : i32 to index
      %get3A_289 = arith.constant 48 : index
      %get3A_290 = tpu.vector_load %arg5[%get3A_287, %get3A_288, %get3A_289] {strides = array<i32>} : memref<2x200x128xf32, #tpu.memory_space<vmem>>, vector<1x1x16xf32>,
      %get3A_291 = vector.shape_cast %get3A_290 : vector<1x1x16xf32> to vector<16xf32>
      %mul3A_292 = arith.mulf %get3A_291, %broadcast_in_dim3A_262 : vector<16xf32>
      %add3A_293 = arith.addf %scan3A_254, %mul3A_292 : vector<16xf32>
      %get3A_294 = arith.constant 0 : i32
      %get3A_295 = arith.index_cast %get3A_294 : i32 to index
      %get3A_296 = arith.index_cast %scan3A_250 : i32 to index
      %get3A_297 = arith.constant 64 : index
      %get3A_298 = tpu.vector_load %arg5[%get3A_295, %get3A_296, %get3A_297] {strides = array<i32>} : memref<2x200x128xf32, #tpu.memory_space<vmem>>, vector<1x1x16xf32>,
      %get3A_299 = vector.shape_cast %get3A_298 : vector<1x1x16xf32> to vector<16xf32>
      %mul3A_300 = arith.mulf %get3A_299, %broadcast_in_dim3A_262 : vector<16xf32>
      %add3A_301 = arith.addf %scan3A_255, %mul3A_300 : vector<16xf32>
      %get3A_302 = arith.constant 0 : i32
      %get3A_303 = arith.index_cast %get3A_302 : i32 to index
      %get3A_304 = arith.index_cast %scan3A_250 : i32 to index
      %get3A_305 = arith.constant 80 : index
      %get3A_306 = tpu.vector_load %arg5[%get3A_303, %get3A_304, %get3A_305] {strides = array<i32>} : memref<2x200x128xf32, #tpu.memory_space<vmem>>, vector<1x1x16xf32>,
      %get3A_307 = vector.shape_cast %get3A_306 : vector<1x1x16xf32> to vector<16xf32>
      %mul3A_308 = arith.mulf %get3A_307, %broadcast_in_dim3A_262 : vector<16xf32>
      %add3A_309 = arith.addf %scan3A_256, %mul3A_308 : vector<16xf32>
      %get3A_310 = arith.constant 0 : i32
      %get3A_311 = arith.index_cast %get3A_310 : i32 to index
      %get3A_312 = arith.index_cast %scan3A_250 : i32 to index
      %get3A_313 = arith.constant 96 : index
      %get3A_314 = tpu.vector_load %arg5[%get3A_311, %get3A_312, %get3A_313] {strides = array<i32>} : memref<2x200x128xf32, #tpu.memory_space<vmem>>, vector<1x1x16xf32>,
      %get3A_315 = vector.shape_cast %get3A_314 : vector<1x1x16xf32> to vector<16xf32>
      %mul3A_316 = arith.mulf %get3A_315, %broadcast_in_dim3A_262 : vector<16xf32>
      %add3A_317 = arith.addf %scan3A_257, %mul3A_316 : vector<16xf32>
      %get3A_318 = arith.constant 0 : i32
      %get3A_319 = arith.index_cast %get3A_318 : i32 to index
      %get3A_320 = arith.index_cast %scan3A_250 : i32 to index
      %get3A_321 = arith.constant 112 : index
      %get3A_322 = tpu.vector_load %arg5[%get3A_319, %get3A_320, %get3A_321] {strides = array<i32>} : memref<2x200x128xf32, #tpu.memory_space<vmem>>, vector<1x1x16xf32>,
      %get3A_323 = vector.shape_cast %get3A_322 : vector<1x1x16xf32> to vector<16xf32>
      %mul3A_324 = arith.mulf %get3A_323, %broadcast_in_dim3A_262 : vector<16xf32>
      %add3A_325 = arith.addf %scan3A_258, %mul3A_324 : vector<16xf32>
      scf.yield %add3A_269, %add3A_277, %add3A_285, %add3A_293, %add3A_301, %add3A_309, %add3A_317, %add3A_325 : vector<16xf32>, vector<16xf32>, vector<16xf32>, vector<16xf32>, vector<16xf32>, vector<16xf32>, vector<16xf32>, vector<16xf32>
    }
    %scan3A_143 = arith.constant 200 : i32
    %dma_start3A_144 = arith.constant 0 : i32
    %dma_start3A_145 = arith.constant 0 : i32
    %dma_start3A_146 = arith.constant 0 : i32
    %dma_start3A_147 = arith.constant 0 : i32
    %dma_start3A_148 = tpu.memref_slice %arg5[%dma_start3A_144, %dma_start3A_146, %dma_start3A_147] : memref<2x200x128xf32, #tpu.memory_space<vmem>> -> memref<1x200x128xf32, #tpu.memory_space<vmem>>
    %dma_start3A_149 = tpu.memref_squeeze %dma_start3A_148 : memref<1x200x128xf32, #tpu.memory_space<vmem>> -> memref<200x128xf32, #tpu.memory_space<vmem>>
    %dma_start3A_150 = arith.constant 800 : i32
    %dma_start3A_151 = tpu.memref_slice %arg2[%dma_start3A_150, %add3A_1] : memref<1000x16384xf32, #tpu.memory_space<hbm>> -> memref<200x128xf32, #tpu.memory_space<hbm>>
    %dma_start3A_152 = tpu.memref_slice %arg8[%dma_start3A_145] : memref<2x!tpu.dma_semaphore, #tpu.memory_space<semaphore_mem>> -> memref<1x!tpu.dma_semaphore, #tpu.memory_space<semaphore_mem>>
    %dma_start3A_153 = tpu.memref_squeeze %dma_start3A_152 : memref<1x!tpu.dma_semaphore, #tpu.memory_space<semaphore_mem>> -> memref<!tpu.dma_semaphore, #tpu.memory_space<semaphore_mem>>
    %dma_start3A_154 = arith.constant 0 : i32
    %dma_start3A_155 = arith.constant 0 : i32
    %dma_start3A_156 = tpu.memref_slice %arg5[%dma_start3A_144, %dma_start3A_154, %dma_start3A_155] : memref<2x200x128xf32, #tpu.memory_space<vmem>> -> memref<1x200x128xf32, #tpu.memory_space<vmem>>
    %dma_start3A_157 = tpu.memref_squeeze %dma_start3A_156 : memref<1x200x128xf32, #tpu.memory_space<vmem>> -> memref<200x128xf32, #tpu.memory_space<vmem>>
    %dma_start3A_158 = arith.constant 800 : i32
    %dma_start3A_159 = tpu.memref_slice %arg2[%dma_start3A_158, %add3A_1] : memref<1000x16384xf32, #tpu.memory_space<hbm>> -> memref<200x128xf32, #tpu.memory_space<hbm>>
    tpu.enqueue_dma source(%dma_start3A_159 : memref<200x128xf32, #tpu.memory_space<hbm>>) target(%dma_start3A_157 : memref<200x128xf32, #tpu.memory_space<vmem>>) target_semaphore(%dma_start3A_153 : memref<!tpu.dma_semaphore, #tpu.memory_space<semaphore_mem>>)
    %dma_wait3A_160 = arith.constant 1 : i32
    %dma_wait3A_161 = arith.constant 1 : i32
    %dma_wait3A_162 = arith.constant 0 : i32
    %dma_wait3A_163 = arith.constant 0 : i32
    %dma_wait3A_164 = tpu.memref_slice %arg5[%dma_wait3A_160, %dma_wait3A_162, %dma_wait3A_163] : memref<2x200x128xf32, #tpu.memory_space<vmem>> -> memref<1x200x128xf32, #tpu.memory_space<vmem>>
    %dma_wait3A_165 = tpu.memref_squeeze %dma_wait3A_164 : memref<1x200x128xf32, #tpu.memory_space<vmem>> -> memref<200x128xf32, #tpu.memory_space<vmem>>
    %dma_wait3A_166 = arith.constant 600 : i32
    %dma_wait3A_167 = tpu.memref_slice %arg2[%dma_wait3A_166, %add3A_1] : memref<1000x16384xf32, #tpu.memory_space<hbm>> -> memref<200x128xf32, #tpu.memory_space<hbm>>
    %dma_wait3A_168 = tpu.memref_slice %arg8[%dma_wait3A_161] : memref<2x!tpu.dma_semaphore, #tpu.memory_space<semaphore_mem>> -> memref<1x!tpu.dma_semaphore, #tpu.memory_space<semaphore_mem>>
    %dma_wait3A_169 = tpu.memref_squeeze %dma_wait3A_168 : memref<1x!tpu.dma_semaphore, #tpu.memory_space<semaphore_mem>> -> memref<!tpu.dma_semaphore, #tpu.memory_space<semaphore_mem>>
    %dma_wait3A_170 = arith.constant 0 : i32
    %dma_wait3A_171 = arith.constant 0 : i32
    %dma_wait3A_172 = tpu.memref_slice %arg5[%dma_wait3A_160, %dma_wait3A_170, %dma_wait3A_171] : memref<2x200x128xf32, #tpu.memory_space<vmem>> -> memref<1x200x128xf32, #tpu.memory_space<vmem>>
    %dma_wait3A_173 = tpu.memref_squeeze %dma_wait3A_172 : memref<1x200x128xf32, #tpu.memory_space<vmem>> -> memref<200x128xf32, #tpu.memory_space<vmem>>
    %dma_wait3A_174 = arith.constant 600 : i32
    %dma_wait3A_175 = tpu.memref_slice %arg2[%dma_wait3A_174, %add3A_1] : memref<1000x16384xf32, #tpu.memory_space<hbm>> -> memref<200x128xf32, #tpu.memory_space<hbm>>
    tpu.wait_dma2 semaphore(%dma_wait3A_169 : memref<!tpu.dma_semaphore, #tpu.memory_space<semaphore_mem>>) src(%dma_wait3A_175 : memref<200x128xf32, #tpu.memory_space<hbm>>) dst(%dma_wait3A_173 : memref<200x128xf32, #tpu.memory_space<vmem>>)
    %scan3A_176 = arith.constant 0 : i32
    %scan3A_177 = arith.constant 200 : i32
    %scan3A_178 = arith.addi %scan3A_176, %scan3A_177 : i32
    %scan3A_179 = arith.constant 1 : i32
    %scan3A_180:8 = scf.for %scan3A_250 = %scan3A_176 to %scan3A_178 step %scan3A_179 iter_args(%scan3A_251 = %scan3A_142#0, %scan3A_252 = %scan3A_142#1, %scan3A_253 = %scan3A_142#2, %scan3A_254 = %scan3A_142#3, %scan3A_255 = %scan3A_142#4, %scan3A_256 = %scan3A_142#5, %scan3A_257 = %scan3A_142#6, %scan3A_258 = %scan3A_142#7) -> (vector<16xf32>, vector<16xf32>, vector<16xf32>, vector<16xf32>, vector<16xf32>, vector<16xf32>, vector<16xf32>, vector<16xf32>)  : i32 {
      %add3A_259 = arith.constant 600 : i32
      %add3A_260 = arith.addi %add3A_259, %scan3A_250 : i32
      %convert_element_type3A_261 = arith.sitofp %add3A_260 : i32 to f32
      %broadcast_in_dim3A_262 = vector.broadcast %convert_element_type3A_261 : f32 to vector<16xf32>
      %get3A = arith.constant 1 : i32
      %get3A_263 = arith.index_cast %get3A : i32 to index
      %get3A_264 = arith.index_cast %scan3A_250 : i32 to index
      %get3A_265 = arith.constant 0 : index
      %get3A_266 = tpu.vector_load %arg5[%get3A_263, %get3A_264, %get3A_265] {strides = array<i32>} : memref<2x200x128xf32, #tpu.memory_space<vmem>>, vector<1x1x16xf32>,
      %get3A_267 = vector.shape_cast %get3A_266 : vector<1x1x16xf32> to vector<16xf32>
      %mul3A_268 = arith.mulf %get3A_267, %broadcast_in_dim3A_262 : vector<16xf32>
      %add3A_269 = arith.addf %scan3A_251, %mul3A_268 : vector<16xf32>
      %get3A_270 = arith.constant 1 : i32
      %get3A_271 = arith.index_cast %get3A_270 : i32 to index
      %get3A_272 = arith.index_cast %scan3A_250 : i32 to index
      %get3A_273 = arith.constant 16 : index
      %get3A_274 = tpu.vector_load %arg5[%get3A_271, %get3A_272, %get3A_273] {strides = array<i32>} : memref<2x200x128xf32, #tpu.memory_space<vmem>>, vector<1x1x16xf32>,
      %get3A_275 = vector.shape_cast %get3A_274 : vector<1x1x16xf32> to vector<16xf32>
      %mul3A_276 = arith.mulf %get3A_275, %broadcast_in_dim3A_262 : vector<16xf32>
      %add3A_277 = arith.addf %scan3A_252, %mul3A_276 : vector<16xf32>
      %get3A_278 = arith.constant 1 : i32
      %get3A_279 = arith.index_cast %get3A_278 : i32 to index
      %get3A_280 = arith.index_cast %scan3A_250 : i32 to index
      %get3A_281 = arith.constant 32 : index
      %get3A_282 = tpu.vector_load %arg5[%get3A_279, %get3A_280, %get3A_281] {strides = array<i32>} : memref<2x200x128xf32, #tpu.memory_space<vmem>>, vector<1x1x16xf32>,
      %get3A_283 = vector.shape_cast %get3A_282 : vector<1x1x16xf32> to vector<16xf32>
      %mul3A_284 = arith.mulf %get3A_283, %broadcast_in_dim3A_262 : vector<16xf32>
      %add3A_285 = arith.addf %scan3A_253, %mul3A_284 : vector<16xf32>
      %get3A_286 = arith.constant 1 : i32
      %get3A_287 = arith.index_cast %get3A_286 : i32 to index
      %get3A_288 = arith.index_cast %scan3A_250 : i32 to index
      %get3A_289 = arith.constant 48 : index
      %get3A_290 = tpu.vector_load %arg5[%get3A_287, %get3A_288, %get3A_289] {strides = array<i32>} : memref<2x200x128xf32, #tpu.memory_space<vmem>>, vector<1x1x16xf32>,
      %get3A_291 = vector.shape_cast %get3A_290 : vector<1x1x16xf32> to vector<16xf32>
      %mul3A_292 = arith.mulf %get3A_291, %broadcast_in_dim3A_262 : vector<16xf32>
      %add3A_293 = arith.addf %scan3A_254, %mul3A_292 : vector<16xf32>
      %get3A_294 = arith.constant 1 : i32
      %get3A_295 = arith.index_cast %get3A_294 : i32 to index
      %get3A_296 = arith.index_cast %scan3A_250 : i32 to index
      %get3A_297 = arith.constant 64 : index
      %get3A_298 = tpu.vector_load %arg5[%get3A_295, %get3A_296, %get3A_297] {strides = array<i32>} : memref<2x200x128xf32, #tpu.memory_space<vmem>>, vector<1x1x16xf32>,
      %get3A_299 = vector.shape_cast %get3A_298 : vector<1x1x16xf32> to vector<16xf32>
      %mul3A_300 = arith.mulf %get3A_299, %broadcast_in_dim3A_262 : vector<16xf32>
      %add3A_301 = arith.addf %scan3A_255, %mul3A_300 : vector<16xf32>
      %get3A_302 = arith.constant 1 : i32
      %get3A_303 = arith.index_cast %get3A_302 : i32 to index
      %get3A_304 = arith.index_cast %scan3A_250 : i32 to index
      %get3A_305 = arith.constant 80 : index
      %get3A_306 = tpu.vector_load %arg5[%get3A_303, %get3A_304, %get3A_305] {strides = array<i32>} : memref<2x200x128xf32, #tpu.memory_space<vmem>>, vector<1x1x16xf32>,
      %get3A_307 = vector.shape_cast %get3A_306 : vector<1x1x16xf32> to vector<16xf32>
      %mul3A_308 = arith.mulf %get3A_307, %broadcast_in_dim3A_262 : vector<16xf32>
      %add3A_309 = arith.addf %scan3A_256, %mul3A_308 : vector<16xf32>
      %get3A_310 = arith.constant 1 : i32
      %get3A_311 = arith.index_cast %get3A_310 : i32 to index
      %get3A_312 = arith.index_cast %scan3A_250 : i32 to index
      %get3A_313 = arith.constant 96 : index
      %get3A_314 = tpu.vector_load %arg5[%get3A_311, %get3A_312, %get3A_313] {strides = array<i32>} : memref<2x200x128xf32, #tpu.memory_space<vmem>>, vector<1x1x16xf32>,
      %get3A_315 = vector.shape_cast %get3A_314 : vector<1x1x16xf32> to vector<16xf32>
      %mul3A_316 = arith.mulf %get3A_315, %broadcast_in_dim3A_262 : vector<16xf32>
      %add3A_317 = arith.addf %scan3A_257, %mul3A_316 : vector<16xf32>
      %get3A_318 = arith.constant 1 : i32
      %get3A_319 = arith.index_cast %get3A_318 : i32 to index
      %get3A_320 = arith.index_cast %scan3A_250 : i32 to index
      %get3A_321 = arith.constant 112 : index
      %get3A_322 = tpu.vector_load %arg5[%get3A_319, %get3A_320, %get3A_321] {strides = array<i32>} : memref<2x200x128xf32, #tpu.memory_space<vmem>>, vector<1x1x16xf32>,
      %get3A_323 = vector.shape_cast %get3A_322 : vector<1x1x16xf32> to vector<16xf32>
      %mul3A_324 = arith.mulf %get3A_323, %broadcast_in_dim3A_262 : vector<16xf32>
      %add3A_325 = arith.addf %scan3A_258, %mul3A_324 : vector<16xf32>
      scf.yield %add3A_269, %add3A_277, %add3A_285, %add3A_293, %add3A_301, %add3A_309, %add3A_317, %add3A_325 : vector<16xf32>, vector<16xf32>, vector<16xf32>, vector<16xf32>, vector<16xf32>, vector<16xf32>, vector<16xf32>, vector<16xf32>
    }
    %scan3A_181 = arith.constant 200 : i32
    %dma_wait3A_182 = arith.constant 0 : i32
    %dma_wait3A_183 = arith.constant 0 : i32
    %dma_wait3A_184 = arith.constant 0 : i32
    %dma_wait3A_185 = arith.constant 0 : i32
    %dma_wait3A_186 = tpu.memref_slice %arg5[%dma_wait3A_182, %dma_wait3A_184, %dma_wait3A_185] : memref<2x200x128xf32, #tpu.memory_space<vmem>> -> memref<1x200x128xf32, #tpu.memory_space<vmem>>
    %dma_wait3A_187 = tpu.memref_squeeze %dma_wait3A_186 : memref<1x200x128xf32, #tpu.memory_space<vmem>> -> memref<200x128xf32, #tpu.memory_space<vmem>>
    %dma_wait3A_188 = arith.constant 800 : i32
    %dma_wait3A_189 = tpu.memref_slice %arg2[%dma_wait3A_188, %add3A_1] : memref<1000x16384xf32, #tpu.memory_space<hbm>> -> memref<200x128xf32, #tpu.memory_space<hbm>>
    %dma_wait3A_190 = tpu.memref_slice %arg8[%dma_wait3A_183] : memref<2x!tpu.dma_semaphore, #tpu.memory_space<semaphore_mem>> -> memref<1x!tpu.dma_semaphore, #tpu.memory_space<semaphore_mem>>
    %dma_wait3A_191 = tpu.memref_squeeze %dma_wait3A_190 : memref<1x!tpu.dma_semaphore, #tpu.memory_space<semaphore_mem>> -> memref<!tpu.dma_semaphore, #tpu.memory_space<semaphore_mem>>
    %dma_wait3A_192 = arith.constant 0 : i32
    %dma_wait3A_193 = arith.constant 0 : i32
    %dma_wait3A_194 = tpu.memref_slice %arg5[%dma_wait3A_182, %dma_wait3A_192, %dma_wait3A_193] : memref<2x200x128xf32, #tpu.memory_space<vmem>> -> memref<1x200x128xf32, #tpu.memory_space<vmem>>
    %dma_wait3A_195 = tpu.memref_squeeze %dma_wait3A_194 : memref<1x200x128xf32, #tpu.memory_space<vmem>> -> memref<200x128xf32, #tpu.memory_space<vmem>>
    %dma_wait3A_196 = arith.constant 800 : i32
    %dma_wait3A_197 = tpu.memref_slice %arg2[%dma_wait3A_196, %add3A_1] : memref<1000x16384xf32, #tpu.memory_space<hbm>> -> memref<200x128xf32, #tpu.memory_space<hbm>>
    tpu.wait_dma2 semaphore(%dma_wait3A_191 : memref<!tpu.dma_semaphore, #tpu.memory_space<semaphore_mem>>) src(%dma_wait3A_197 : memref<200x128xf32, #tpu.memory_space<hbm>>) dst(%dma_wait3A_195 : memref<200x128xf32, #tpu.memory_space<vmem>>)
    %scan3A_198 = arith.constant 0 : i32
    %scan3A_199 = arith.constant 200 : i32
    %scan3A_200 = arith.addi %scan3A_198, %scan3A_199 : i32
    %scan3A_201 = arith.constant 1 : i32
    %scan3A_202:8 = scf.for %scan3A_250 = %scan3A_198 to %scan3A_200 step %scan3A_201 iter_args(%scan3A_251 = %scan3A_180#0, %scan3A_252 = %scan3A_180#1, %scan3A_253 = %scan3A_180#2, %scan3A_254 = %scan3A_180#3, %scan3A_255 = %scan3A_180#4, %scan3A_256 = %scan3A_180#5, %scan3A_257 = %scan3A_180#6, %scan3A_258 = %scan3A_180#7) -> (vector<16xf32>, vector<16xf32>, vector<16xf32>, vector<16xf32>, vector<16xf32>, vector<16xf32>, vector<16xf32>, vector<16xf32>)  : i32 {
      %add3A_259 = arith.constant 800 : i32
      %add3A_260 = arith.addi %add3A_259, %scan3A_250 : i32
      %convert_element_type3A_261 = arith.sitofp %add3A_260 : i32 to f32
      %broadcast_in_dim3A_262 = vector.broadcast %convert_element_type3A_261 : f32 to vector<16xf32>
      %get3A = arith.constant 0 : i32
      %get3A_263 = arith.index_cast %get3A : i32 to index
      %get3A_264 = arith.index_cast %scan3A_250 : i32 to index
      %get3A_265 = arith.constant 0 : index
      %get3A_266 = tpu.vector_load %arg5[%get3A_263, %get3A_264, %get3A_265] {strides = array<i32>} : memref<2x200x128xf32, #tpu.memory_space<vmem>>, vector<1x1x16xf32>,
      %get3A_267 = vector.shape_cast %get3A_266 : vector<1x1x16xf32> to vector<16xf32>
      %mul3A_268 = arith.mulf %get3A_267, %broadcast_in_dim3A_262 : vector<16xf32>
      %add3A_269 = arith.addf %scan3A_251, %mul3A_268 : vector<16xf32>
      %get3A_270 = arith.constant 0 : i32
      %get3A_271 = arith.index_cast %get3A_270 : i32 to index
      %get3A_272 = arith.index_cast %scan3A_250 : i32 to index
      %get3A_273 = arith.constant 16 : index
      %get3A_274 = tpu.vector_load %arg5[%get3A_271, %get3A_272, %get3A_273] {strides = array<i32>} : memref<2x200x128xf32, #tpu.memory_space<vmem>>, vector<1x1x16xf32>,
      %get3A_275 = vector.shape_cast %get3A_274 : vector<1x1x16xf32> to vector<16xf32>
      %mul3A_276 = arith.mulf %get3A_275, %broadcast_in_dim3A_262 : vector<16xf32>
      %add3A_277 = arith.addf %scan3A_252, %mul3A_276 : vector<16xf32>
      %get3A_278 = arith.constant 0 : i32
      %get3A_279 = arith.index_cast %get3A_278 : i32 to index
      %get3A_280 = arith.index_cast %scan3A_250 : i32 to index
      %get3A_281 = arith.constant 32 : index
      %get3A_282 = tpu.vector_load %arg5[%get3A_279, %get3A_280, %get3A_281] {strides = array<i32>} : memref<2x200x128xf32, #tpu.memory_space<vmem>>, vector<1x1x16xf32>,
      %get3A_283 = vector.shape_cast %get3A_282 : vector<1x1x16xf32> to vector<16xf32>
      %mul3A_284 = arith.mulf %get3A_283, %broadcast_in_dim3A_262 : vector<16xf32>
      %add3A_285 = arith.addf %scan3A_253, %mul3A_284 : vector<16xf32>
      %get3A_286 = arith.constant 0 : i32
      %get3A_287 = arith.index_cast %get3A_286 : i32 to index
      %get3A_288 = arith.index_cast %scan3A_250 : i32 to index
      %get3A_289 = arith.constant 48 : index
      %get3A_290 = tpu.vector_load %arg5[%get3A_287, %get3A_288, %get3A_289] {strides = array<i32>} : memref<2x200x128xf32, #tpu.memory_space<vmem>>, vector<1x1x16xf32>,
      %get3A_291 = vector.shape_cast %get3A_290 : vector<1x1x16xf32> to vector<16xf32>
      %mul3A_292 = arith.mulf %get3A_291, %broadcast_in_dim3A_262 : vector<16xf32>
      %add3A_293 = arith.addf %scan3A_254, %mul3A_292 : vector<16xf32>
      %get3A_294 = arith.constant 0 : i32
      %get3A_295 = arith.index_cast %get3A_294 : i32 to index
      %get3A_296 = arith.index_cast %scan3A_250 : i32 to index
      %get3A_297 = arith.constant 64 : index
      %get3A_298 = tpu.vector_load %arg5[%get3A_295, %get3A_296, %get3A_297] {strides = array<i32>} : memref<2x200x128xf32, #tpu.memory_space<vmem>>, vector<1x1x16xf32>,
      %get3A_299 = vector.shape_cast %get3A_298 : vector<1x1x16xf32> to vector<16xf32>
      %mul3A_300 = arith.mulf %get3A_299, %broadcast_in_dim3A_262 : vector<16xf32>
      %add3A_301 = arith.addf %scan3A_255, %mul3A_300 : vector<16xf32>
      %get3A_302 = arith.constant 0 : i32
      %get3A_303 = arith.index_cast %get3A_302 : i32 to index
      %get3A_304 = arith.index_cast %scan3A_250 : i32 to index
      %get3A_305 = arith.constant 80 : index
      %get3A_306 = tpu.vector_load %arg5[%get3A_303, %get3A_304, %get3A_305] {strides = array<i32>} : memref<2x200x128xf32, #tpu.memory_space<vmem>>, vector<1x1x16xf32>,
      %get3A_307 = vector.shape_cast %get3A_306 : vector<1x1x16xf32> to vector<16xf32>
      %mul3A_308 = arith.mulf %get3A_307, %broadcast_in_dim3A_262 : vector<16xf32>
      %add3A_309 = arith.addf %scan3A_256, %mul3A_308 : vector<16xf32>
      %get3A_310 = arith.constant 0 : i32
      %get3A_311 = arith.index_cast %get3A_310 : i32 to index
      %get3A_312 = arith.index_cast %scan3A_250 : i32 to index
      %get3A_313 = arith.constant 96 : index
      %get3A_314 = tpu.vector_load %arg5[%get3A_311, %get3A_312, %get3A_313] {strides = array<i32>} : memref<2x200x128xf32, #tpu.memory_space<vmem>>, vector<1x1x16xf32>,
      %get3A_315 = vector.shape_cast %get3A_314 : vector<1x1x16xf32> to vector<16xf32>
      %mul3A_316 = arith.mulf %get3A_315, %broadcast_in_dim3A_262 : vector<16xf32>
      %add3A_317 = arith.addf %scan3A_257, %mul3A_316 : vector<16xf32>
      %get3A_318 = arith.constant 0 : i32
      %get3A_319 = arith.index_cast %get3A_318 : i32 to index
      %get3A_320 = arith.index_cast %scan3A_250 : i32 to index
      %get3A_321 = arith.constant 112 : index
      %get3A_322 = tpu.vector_load %arg5[%get3A_319, %get3A_320, %get3A_321] {strides = array<i32>} : memref<2x200x128xf32, #tpu.memory_space<vmem>>, vector<1x1x16xf32>,
      %get3A_323 = vector.shape_cast %get3A_322 : vector<1x1x16xf32> to vector<16xf32>
      %mul3A_324 = arith.mulf %get3A_323, %broadcast_in_dim3A_262 : vector<16xf32>
      %add3A_325 = arith.addf %scan3A_258, %mul3A_324 : vector<16xf32>
      scf.yield %add3A_269, %add3A_277, %add3A_285, %add3A_293, %add3A_301, %add3A_309, %add3A_317, %add3A_325 : vector<16xf32>, vector<16xf32>, vector<16xf32>, vector<16xf32>, vector<16xf32>, vector<16xf32>, vector<16xf32>, vector<16xf32>
    }
    %scan3A_203 = arith.constant 200 : i32
    %convert_element_type3A = arith.fptosi %scan3A_202#0 : vector<16xf32> to vector<16xi32>
    %swap3A = arith.constant 0 : index
    %swap3A_204 = tpu.vector_load %arg6[%swap3A] {strides = array<i32>} : memref<128xi32, #tpu.memory_space<vmem>>, vector<16xi32>,
    %swap3A_205 = vector.shape_cast %swap3A_204 : vector<16xi32> to vector<16xi32>
    %swap3A_206 = vector.shape_cast %convert_element_type3A : vector<16xi32> to vector<16xi32>
    tpu.vector_store %arg6[%swap3A], %swap3A_206 {strides = array<i32>} : memref<128xi32, #tpu.memory_space<vmem>>, vector<16xi32>,
    %convert_element_type3A_207 = arith.fptosi %scan3A_202#1 : vector<16xf32> to vector<16xi32>
    %swap3A_208 = arith.constant 16 : index
    %swap3A_209 = tpu.vector_load %arg6[%swap3A_208] {strides = array<i32>} : memref<128xi32, #tpu.memory_space<vmem>>, vector<16xi32>,
    %swap3A_210 = vector.shape_cast %swap3A_209 : vector<16xi32> to vector<16xi32>
    %swap3A_211 = vector.shape_cast %convert_element_type3A_207 : vector<16xi32> to vector<16xi32>
    tpu.vector_store %arg6[%swap3A_208], %swap3A_211 {strides = array<i32>} : memref<128xi32, #tpu.memory_space<vmem>>, vector<16xi32>,
    %convert_element_type3A_212 = arith.fptosi %scan3A_202#2 : vector<16xf32> to vector<16xi32>
    %swap3A_213 = arith.constant 32 : index
    %swap3A_214 = tpu.vector_load %arg6[%swap3A_213] {strides = array<i32>} : memref<128xi32, #tpu.memory_space<vmem>>, vector<16xi32>,
    %swap3A_215 = vector.shape_cast %swap3A_214 : vector<16xi32> to vector<16xi32>
    %swap3A_216 = vector.shape_cast %convert_element_type3A_212 : vector<16xi32> to vector<16xi32>
    tpu.vector_store %arg6[%swap3A_213], %swap3A_216 {strides = array<i32>} : memref<128xi32, #tpu.memory_space<vmem>>, vector<16xi32>,
    %convert_element_type3A_217 = arith.fptosi %scan3A_202#3 : vector<16xf32> to vector<16xi32>
    %swap3A_218 = arith.constant 48 : index
    %swap3A_219 = tpu.vector_load %arg6[%swap3A_218] {strides = array<i32>} : memref<128xi32, #tpu.memory_space<vmem>>, vector<16xi32>,
    %swap3A_220 = vector.shape_cast %swap3A_219 : vector<16xi32> to vector<16xi32>
    %swap3A_221 = vector.shape_cast %convert_element_type3A_217 : vector<16xi32> to vector<16xi32>
    tpu.vector_store %arg6[%swap3A_218], %swap3A_221 {strides = array<i32>} : memref<128xi32, #tpu.memory_space<vmem>>, vector<16xi32>,
    %convert_element_type3A_222 = arith.fptosi %scan3A_202#4 : vector<16xf32> to vector<16xi32>
    %swap3A_223 = arith.constant 64 : index
    %swap3A_224 = tpu.vector_load %arg6[%swap3A_223] {strides = array<i32>} : memref<128xi32, #tpu.memory_space<vmem>>, vector<16xi32>,
    %swap3A_225 = vector.shape_cast %swap3A_224 : vector<16xi32> to vector<16xi32>
    %swap3A_226 = vector.shape_cast %convert_element_type3A_222 : vector<16xi32> to vector<16xi32>
    tpu.vector_store %arg6[%swap3A_223], %swap3A_226 {strides = array<i32>} : memref<128xi32, #tpu.memory_space<vmem>>, vector<16xi32>,
    %convert_element_type3A_227 = arith.fptosi %scan3A_202#5 : vector<16xf32> to vector<16xi32>
    %swap3A_228 = arith.constant 80 : index
    %swap3A_229 = tpu.vector_load %arg6[%swap3A_228] {strides = array<i32>} : memref<128xi32, #tpu.memory_space<vmem>>, vector<16xi32>,
    %swap3A_230 = vector.shape_cast %swap3A_229 : vector<16xi32> to vector<16xi32>
    %swap3A_231 = vector.shape_cast %convert_element_type3A_227 : vector<16xi32> to vector<16xi32>
    tpu.vector_store %arg6[%swap3A_228], %swap3A_231 {strides = array<i32>} : memref<128xi32, #tpu.memory_space<vmem>>, vector<16xi32>,
    %convert_element_type3A_232 = arith.fptosi %scan3A_202#6 : vector<16xf32> to vector<16xi32>
    %swap3A_233 = arith.constant 96 : index
    %swap3A_234 = tpu.vector_load %arg6[%swap3A_233] {strides = array<i32>} : memref<128xi32, #tpu.memory_space<vmem>>, vector<16xi32>,
    %swap3A_235 = vector.shape_cast %swap3A_234 : vector<16xi32> to vector<16xi32>
    %swap3A_236 = vector.shape_cast %convert_element_type3A_232 : vector<16xi32> to vector<16xi32>
    tpu.vector_store %arg6[%swap3A_233], %swap3A_236 {strides = array<i32>} : memref<128xi32, #tpu.memory_space<vmem>>, vector<16xi32>,
    %convert_element_type3A_237 = arith.fptosi %scan3A_202#7 : vector<16xf32> to vector<16xi32>
    %swap3A_238 = arith.constant 112 : index
    %swap3A_239 = tpu.vector_load %arg6[%swap3A_238] {strides = array<i32>} : memref<128xi32, #tpu.memory_space<vmem>>, vector<16xi32>,
    %swap3A_240 = vector.shape_cast %swap3A_239 : vector<16xi32> to vector<16xi32>
    %swap3A_241 = vector.shape_cast %convert_element_type3A_237 : vector<16xi32> to vector<16xi32>
    tpu.vector_store %arg6[%swap3A_238], %swap3A_241 {strides = array<i32>} : memref<128xi32, #tpu.memory_space<vmem>>, vector<16xi32>,
    %dma_start3A_242 = arith.constant 0 : i32
    %dma_start3A_243 = arith.constant 0 : i32
    %dma_start3A_244 = tpu.memref_slice %arg3[%dma_start3A_242, %dma_start3A_243] : memref<1000x128xf32, #tpu.memory_space<hbm>> -> memref<1000x128xf32, #tpu.memory_space<hbm>>
    tpu.enqueue_indirect_dma source(%dma_start3A_244 : memref<1000x128xf32, #tpu.memory_space<hbm>>) target(%arg7 : memref<128x128xf32, #tpu.memory_space<vmem>>) offsets(%arg6 : memref<128xi32, #tpu.memory_space<vmem>>) semaphore(%arg9 : memref<!tpu.dma_semaphore, #tpu.memory_space<semaphore_mem>>)
    %dma_wait3A_245 = arith.constant 0 : i32
    %dma_wait3A_246 = arith.constant 0 : i32
    %dma_wait3A_247 = tpu.memref_slice %arg3[%dma_wait3A_245, %dma_wait3A_246] : memref<1000x128xf32, #tpu.memory_space<hbm>> -> memref<1000x128xf32, #tpu.memory_space<hbm>>
    tpu.wait_indirect_dma semaphore(%arg9 : memref<!tpu.dma_semaphore, #tpu.memory_space<semaphore_mem>>) src(%dma_wait3A_247 : memref<1000x128xf32, #tpu.memory_space<hbm>>) dst(%arg7 : memref<128x128xf32, #tpu.memory_space<vmem>>)
    %mul3A_248 = arith.constant 128 : i32
    %mul3A_249 = arith.muli %arg1, %mul3A_248 : i32
    "tpu.region"() ({
      %run_scoped3A = tpu.sem_alloc : memref<!tpu.dma_semaphore, #tpu.memory_space<semaphore_mem>>
      %dma_start3A_250 = arith.constant 0 : i32
      %dma_start3A_251 = tpu.memref_slice %arg4[%mul3A_249, %dma_start3A_250] : memref<2048x128xf32, #tpu.memory_space<hbm>> -> memref<128x128xf32, #tpu.memory_space<hbm>>
      %dma_start3A_252 = arith.constant 0 : i32
      %dma_start3A_253 = tpu.memref_slice %arg4[%mul3A_249, %dma_start3A_252] : memref<2048x128xf32, #tpu.memory_space<hbm>> -> memref<128x128xf32, #tpu.memory_space<hbm>>
      tpu.enqueue_dma source(%arg7 : memref<128x128xf32, #tpu.memory_space<vmem>>) target(%dma_start3A_253 : memref<128x128xf32, #tpu.memory_space<hbm>>) target_semaphore(%run_scoped3A : memref<!tpu.dma_semaphore, #tpu.memory_space<semaphore_mem>>)
      %dma_wait3A_254 = arith.constant 0 : i32
      %dma_wait3A_255 = tpu.memref_slice %arg4[%mul3A_249, %dma_wait3A_254] : memref<2048x128xf32, #tpu.memory_space<hbm>> -> memref<128x128xf32, #tpu.memory_space<hbm>>
      %dma_wait3A_256 = arith.constant 0 : i32
      %dma_wait3A_257 = tpu.memref_slice %arg4[%mul3A_249, %dma_wait3A_256] : memref<2048x128xf32, #tpu.memory_space<hbm>> -> memref<128x128xf32, #tpu.memory_space<hbm>>
      tpu.wait_dma2 semaphore(%run_scoped3A : memref<!tpu.dma_semaphore, #tpu.memory_space<semaphore_mem>>) src(%arg7 : memref<128x128xf32, #tpu.memory_space<vmem>>) dst(%dma_wait3A_257 : memref<128x128xf32, #tpu.memory_space<hbm>>)
      tpu.yield
    }) : () -> ()
    return
  }
}

module attributes {stable_mosaic.version = 14 : i64} {
  func.func @_tc_body(%arg0: i32, %arg1: memref<16x1000xf32, #tpu.memory_space<vmem>>, %arg2: memref<1000x2048xf32, #tpu.memory_space<vmem>>, %arg3: memref<16x2048xf32, #tpu.memory_space<vmem>>) attributes {dimension_semantics = [#tpu.dimension_semantics<arbitrary>], iteration_bounds = array<i64: 7>, scalar_prefetch = 0 : i64, scratch_operands = 0 : i64, tpu.core_type = #tpu.core_type<tc>, window_params = [{pipeline_mode = #tpu.pipeline_mode<synchronous>, transform_indices = @transform_0, window_bounds = array<i64: 16, 1000>}, {transform_indices = @transform_1, window_bounds = array<i64: 1000, 2048>}, {transform_indices = @transform_2, window_bounds = array<i64: 16, 2048>}]} {
    %get3A = arith.constant 0 : index
    %get3A_0 = arith.constant 0 : index
    %get3A_1 = vector.load %arg1[%get3A, %get3A_0] : memref<16x1000xf32, #tpu.memory_space<vmem>>, vector<16x1000xf32>
    %convert_element_type3A = arith.truncf %get3A_1 : vector<16x1000xf32> to vector<16x1000xbf16>
    %get3A_2 = arith.constant 0 : index
    %get3A_3 = arith.constant 0 : index
    %get3A_4 = vector.load %arg2[%get3A_2, %get3A_3] : memref<1000x2048xf32, #tpu.memory_space<vmem>>, vector<1000x2048xf32>
    %convert_element_type3A_5 = arith.truncf %get3A_4 : vector<1000x2048xf32> to vector<1000x2048xbf16>
    %dot_general3A = arith.constant dense<0.000000e+00> : vector<16x2048xf32>
    %dot_general3A_6 = tpu.matmul %convert_element_type3A, %convert_element_type3A_5, %dot_general3A {dimension_numbers = #tpu.dot_dimension_numbers<[1], [0], [0], [1], [0, 0, 1, 1], [], []>, transpose_lhs_hint = false} : vector<16x1000xbf16>, vector<1000x2048xbf16>, vector<16x2048xf32> -> vector<16x2048xf32>
    %swap3A = arith.constant 0 : index
    %swap3A_7 = arith.constant 0 : index
    %swap3A_8 = vector.load %arg3[%swap3A, %swap3A_7] : memref<16x2048xf32, #tpu.memory_space<vmem>>, vector<16x2048xf32>
    tpu.vector_store %arg3[%swap3A, %swap3A_7], %dot_general3A_6 {strides = array<i32>} : memref<16x2048xf32, #tpu.memory_space<vmem>>, vector<16x2048xf32>,
    return
  }
  func.func @transform_0(%arg0: i32) -> (i32, i32) {
    %c0_i32 = arith.constant 0 : i32
    %c0_i32_0 = arith.constant 0 : i32
    %c0_i32_1 = arith.constant 0 : i32
    return %c0_i32, %c0_i32_0 : i32, i32
  }
  func.func @transform_1(%arg0: i32) -> (i32, i32) {
    %c0_i32 = arith.constant 0 : i32
    %c0_i32_0 = arith.constant 0 : i32
    return %c0_i32, %arg0 : i32, i32
  }
  func.func @transform_2(%arg0: i32) -> (i32, i32) {
    %c0_i32 = arith.constant 0 : i32
    %c0_i32_0 = arith.constant 0 : i32
    return %c0_i32, %arg0 : i32, i32
  }
}

</mosaic_0001>

<sc_bundles>
// kernel: kernel.4.cloned.1.call-start
scs
__scs_entry_jumppad:
0x0: {  	(pc) =	sbr.rel $0x88, $3  }
0x1: {  	(tag) =	ssettag $0x0;
	lr =	simm.s32 $0x1  }
0x2: {  	[smem:$0x3F9F] =	sst lr;
	_ =	strace $0xD0000000  }
0x3: {  	_ = 	snop  }
0x4: {  	_ = 	snop  }
0x5: {  	_ = 	snop  }
0x6: {  	_ = 	snop  }
0x7: {  	_ = 	snop  }
__scs_overlays_trampoline_lowered:
0x8: {  	[smem:$0x3FAE] =	sst s0  }
0x9: {  	[smem:$0x3FAF] =	sst s1  }
0xa: {  	[smem:$0x3FB0] =	sst s2  }
0xb: {  	[smem:$0x3FB1] =	sst s3  }
0xc: {  	[smem:$0x3FB2] =	sst s4  }
0xd: {  	[smem:$0x3FB3] =	sst s5  }
0xe: {  	[smem:$0x3FB4] =	sst s6  }
0xf: {  	[smem:$0x3FB5] =	sst s7  }
0x10: {  	[smem:$0x3FB6] =	sst s8  }
0x11: {  	[smem:$0x3FB7] =	sst s9;
	s0 =	simm.s32 @!p0 $0x0  }
0x12: {  	s1 =	sld [smem:$0x3F9D];
	s0 =	simm.s32 @p0 $0x1  }
0x13: {  	[smem:$0x3FB8] =	sst s0;
	s0 =	simm.s32 @!p1 $0x0  }
0x14: {  	s2 =	sld [smem:$0x3F9C];
	s0 =	simm.s32 @p1 $0x1  }
0x15: {  	[smem:$0x3FB9] =	sst s0;
	s0 =	simm.s32 @!p2 $0x0  }
0x16: {  	s3 =	sld [smem:$0x3FDB];
	s0 =	simm.s32 @p2 $0x1  }
0x17: {  	s4 =	simm.s32 $0x1BF5;
	[smem:$0x3FBB] =	sst s0  }
0x18: {  	s0 =	sld [smem:$0x3F9E];
	_ =	swait.ge [sflag:s4], $0x0  }
0x19: {  	s7 =	sld [smem:$0x3F9F]  }
0x1a: {  	s8 =	sadd.s32 $0xFFFFE003, lr  }
0x1b: {  	s9 =	sadd.s32 $0xFFFFFEF7, lr;
	s5 =	simm.s32 $0xFFFFFFFF;
	p2 =	slt.u32 s8, $0xFFFFF086  }
0x1c: {  	p1 =	slt.u32 s9, $0xF7A;
	s5 =	simm.s32 @!p2 $0x0  }
0x1d: {  	s5 =	simm.s32 @p1 $0x1;
	p0 =	seq.s32 s7, s2  }
0x1e: {  	s7 =	smul.u32 @!p0 $0xF7A, s2;
	p2 =	seq.s32 @!p0 s5, $0x0  }
0x1f: {  	s9 =	smul.u32 $0xF7A, s1;
	s8 =	simm.s32 @!p0 $0x1BF5;
	p2 =	por !p2, p0  }
0x20: {  	[sflag:s8] =	ssyncset.s32 @!p0 $0xFFFFF086;
	s6 =	sadd.s32 @!p0 s3, s7;
	s7 =	simm.s32 @!p0 $0x108  }
0x21: {  	s3 =	sadd.s32 s3, s9;
	s6 =	sadd.s32 @!p0 $0x88, s6;
	s7 =	simm.s32 @p2 $0x1082  }
0x22: {  	[simem:s7], [sflag:s8] =	dma.local @!p0 [hbm:s6], $0xF7A  }
0x23: {  	s9 =	sor.u32 $0xD0000000, s2;
	s6 =	simm.s32 $0x108;
	_ =	swait.ge @!p0 [sflag:s8], $0x0  }
0x24: {  	s3 =	sadd.s32 $0x88, s3;
	s6 =	simm.s32 @!p1 $0x1082;
	[sflag:s4] =	ssyncset.s32 $0xFFFFF086  }
0x25: {  	[simem:s6], [sflag:s4] =	dma.local [hbm:s3], $0xF7A  }
0x26: {  	[smem:$0x3F9F] =	sst s1;
	(tag) =	ssettag s2;
	_ =	strace s9  }
0x27: {  	s1 =	sld [smem:$0x3FAF]  }
0x28: {  	s2 =	sld [smem:$0x3FB0]  }
0x29: {  	s4 =	sld [smem:$0x3FB2]  }
0x2a: {  	p0 =	seq.s32 s5, $0x0;
	s5 =	sld [smem:$0x3FB3]  }
0x2b: {  	s6 =	sld [smem:$0x3FB4]  }
0x2c: {  	s7 =	sld [smem:$0x3FB5]  }
0x2d: {  	s3 =	simm.s32 $0x108;
	s8 =	sld [smem:$0x3FB6]  }
0x2e: {  	s3 =	simm.s32 @!p0 $0x1082;
	s9 =	sld [smem:$0x3FB7]  }
0x2f: {  	lr =	sadd.s32 s0, s3;
	s0 =	sld [smem:$0x3FAE]  }
0x30: {  	s3 =	sld [smem:$0x3FB1]  }
0x31: {  	[smem:$0x3FBA] =	sst s10  }
0x32: {  	s10 =	sld [smem:$0x3FB8];
	_ =	sdelay $0x3  }
0x33: {  	p0 =	seq.s32 s10, $0x1;
	s10 =	sld [smem:$0x3FBA];
	_ =	sdelay $0x3  }
0x34: {  	[smem:$0x3FBA] =	sst s10  }
0x35: {  	s10 =	sld [smem:$0x3FB9];
	_ =	sdelay $0x3  }
0x36: {  	p1 =	seq.s32 s10, $0x1;
	s10 =	sld [smem:$0x3FBA];
	_ =	sdelay $0x3  }
0x37: {  	[smem:$0x3FBA] =	sst s10  }
0x38: {  	s10 =	sld [smem:$0x3FBB]  }
0x39: {  	_ = 	snop;
	(pc) =	sbr.ind lr, $3  }
0x3a: {  	_ = 	snop  }
0x3b: {  	_ = 	snop  }
0x3c: {  	p2 =	seq.s32 s10, $0x1;
	s10 =	sld [smem:$0x3FBA]  }
0x3d: {  	_ =	shalt  }
0x3e: {  	_ =	shalt  }
0x3f: {  	_ =	shalt  }
0x40: {  	_ =	shalt  }
0x41: {  	_ =	shalt  }
0x42: {  	_ =	shalt  }
0x43: {  	_ =	shalt  }
0x44: {  	_ =	shalt  }
0x45: {  	_ =	shalt  }
0x46: {  	_ =	shalt  }
0x47: {  	_ =	shalt  }
0x48: {  	_ =	shalt  }
0x49: {  	_ =	shalt  }
0x4a: {  	_ =	shalt  }
0x4b: {  	_ =	shalt  }
0x4c: {  	_ =	shalt  }
0x4d: {  	_ =	shalt  }
0x4e: {  	_ =	shalt  }
0x4f: {  	_ =	shalt  }
0x50: {  	_ =	shalt  }
0x51: {  	_ =	shalt  }
0x52: {  	_ =	shalt  }
0x53: {  	_ =	shalt  }
0x54: {  	_ =	shalt  }
0x55: {  	_ =	shalt  }
0x56: {  	_ =	shalt  }
0x57: {  	_ =	shalt  }
0x58: {  	_ =	shalt  }
0x59: {  	_ =	shalt  }
0x5a: {  	_ =	shalt  }
0x5b: {  	_ =	shalt  }
0x5c: {  	_ =	shalt  }
0x5d: {  	_ =	shalt  }
0x5e: {  	_ =	shalt  }
0x5f: {  	_ =	shalt  }
0x60: {  	_ =	shalt  }
0x61: {  	_ =	shalt  }
0x62: {  	_ =	shalt  }
0x63: {  	_ =	shalt  }
0x64: {  	_ =	shalt  }
0x65: {  	_ =	shalt  }
0x66: {  	_ =	shalt  }
0x67: {  	_ =	shalt  }
0x68: {  	_ =	shalt  }
0x69: {  	_ =	shalt  }
0x6a: {  	_ =	shalt  }
0x6b: {  	_ =	shalt  }
0x6c: {  	_ =	shalt  }
0x6d: {  	_ =	shalt  }
0x6e: {  	_ =	shalt  }
0x6f: {  	_ =	shalt  }
0x70: {  	_ =	shalt  }
0x71: {  	_ =	shalt  }
0x72: {  	_ =	shalt  }
0x73: {  	_ =	shalt  }
0x74: {  	_ =	shalt  }
0x75: {  	_ =	shalt  }
0x76: {  	_ =	shalt  }
0x77: {  	_ =	shalt  }
0x78: {  	_ =	shalt  }
0x79: {  	_ =	shalt  }
0x7a: {  	_ =	shalt  }
0x7b: {  	_ =	shalt  }
0x7c: {  	_ =	shalt  }
0x7d: {  	_ =	shalt  }
0x7e: {  	_ =	shalt  }
0x7f: {  	_ =	shalt  }
0x80: {  	_ =	shalt  }
0x81: {  	_ =	shalt  }
0x82: {  	_ =	shalt  }
0x83: {  	_ =	shalt  }
0x84: {  	_ =	shalt  }
0x85: {  	_ =	shalt  }
0x86: {  	_ =	shalt  }
0x87: {  	_ =	shalt  }
.Lfunc_end0:
.L_simem_size_0:
called_computation_lowered:
.L_overlay_start_0:
0x88: {  	s0 =	sld [smem:$0x3FD9]  }
0x89: {  	s1 =	sld [smem:$0x3FFE];
	_ =	sdelay $0x3  }
0x8a: {  	s0 =	sadd.s32 s1, s0  }
0x8b: {  	[smem:$0x3FC6] =	sst s0  }
0x8c: {  	_ = 	snop  }
0x8d: {  	s0 =	sld [smem:$0x3FC9]  }
0x8e: {  	s16 =	sld [smem:$0x3FD0];
	(tm) =	ssettm $0x1  }
0x8f: {  	s2 =	sld [smem:$0x3FFB];
	_ =	sdelay $0x3  }
0x90: {  	_ =	strace s2  }
0x91: {  	s2 =	sld [smem:$0x3FFC];
	_ =	sdelay $0x3  }
0x92: {  	_ =	strace s2  }
0x93: {  	s2 =	sld [smem:$0x3FFD];
	_ =	sdelay $0x3  }
0x94: {  	_ =	strace s2  }
0x95: {  	_ =	strace $0x8FFFFFFF  }
0x96: {  	s17 =	sld [smem:$0x3FDB];
	_ =	sdelay $0x1  }
0x97: {  	s3 =	simm.s32 $_scs_section_size  }
0x98: {  	s4 =	simm.s32 $_size__tile_overlayer_lowered;
	s5 =	simm.s32 $_tile_overlayer_lowered  }
0x99: {  	s20 =	simm.s32 $0x1BFF;
	s19 =	sshll.u32 s5, $0x1;
	s2 =	sadd.s32 s3, s17  }
0x9a: {  	s6 =	simm.s32 $0x0;
	s18 =	sshll.u32 s4, $0x1;
	s4 =	sadd.s32 s19, s2  }
0x9b: {  	[timem:s6], [sflag:s20] =	dma.local [hbm:s4], s18  }
0x9c: {  	_ =	swait.ge [sflag:s20], s18  }
0x9d: {  	s3 =	ssub.s32 $0x0, s18;
	[sflag:s20] =	ssyncset.done $0x0  }
0x9e: {  	[sflag:s20] =	ssyncadd.s32 s3;
	_ =	sdelay $0x1  }
0x9f: {  	s21 =	simm.s32 $0x1B8B  }
0xa0: {  	_ =	swait.ge [sflag:s21], $0x1  }
0xa1: {  	[sflag:s21] =	ssyncset.done $0x0  }
0xa2: {  	s23 =	simm.s32 $0x1B8E;
	s22 =	sld [smem:$0x3FFE];
	[sflag:s21] =	ssyncadd.s32 $0xFFFFFFFF  }
0xa3: {  	s24 =	simm.s32 $execute0_lowered;
	[smem:$0x3FD2] =	sst s23  }
0xa4: {  	s4 =	sshll.u32 s24, $0x1;
	_ =	strace $0x80000046;
	[dreg:$0x1] =	wrdreg $0xFFFFFFFF  }
0xa5: {  	s25 =	simm.s32 $_size_execute0_lowered;
	s2 =	sadd.s32 s2, s4;
	[dreg:$0x0] =	wrdreg $0x0  }
0xa6: {  	s4 =	sshll.u32 s25, $0x1;
	[dreg:$0x2] =	wrdreg s2  }
0xa7: {  	[dreg:$0x3] =	wrdreg s4  }
0xa8: {  	[dreg:$0x4] =	wrdreg $0xC0  }
0xa9: {  	_ =	task [dreg:s6], $0x5FFFF  }
0xaa: {  	[dreg:$0x1] =	wrdreg $0xFFFFFFFF  }
0xab: {  	[dreg:$0x0] =	wrdreg $0x60  }
0xac: {  	[dreg:$0x2] =	wrdreg s0  }
0xad: {  	[dreg:$0x3] =	wrdreg s22  }
0xae: {  	[dreg:$0x4] =	wrdreg s16  }
0xaf: {  	[dreg:$0x5] =	wrdreg $0x9  }
0xb0: {  	_ =	task.clear_ibuf [dreg:s6], $0x6FFFF;
	_ =	strace $0x90000046  }
0xb1: {  	s26 =	simm.s32 $0x9;
	_ =	strace $0x80000048  }
0xb2: {  	_ =	swait.ge [sflag:s26], $0x1  }
0xb3: {  	[sflag:s26] =	ssyncadd.s32 $0xFFFFFFFF  }
0xb4: {  	_ =	strace $0x90000048  }
0xb5: {  	_ =	sfence  }
0xb6: {  	s28 =	sld [smem:$0x0];
	_ =	sdelay $0x1  }
0xb7: {  	s29 =	srdreg.scid  }
0xb8: {  	s30 =	sshll.u32 s29, $0xD;
	s31 =	sshrl.u32 s29, $0x2  }
0xb9: {  	s1 =	sand.u32 $0x1, s29;
	s2 =	sand.u32 $0x4000, s30;
	s0 =	sadd.s32 s31, s28  }
0xba: {  	s1 =	sor.u32 s2, s1;
	s0 =	sshll.u32 s0, $0x11  }
0xbb: {  	s0 =	sor.u32 s0, s1  }
0xbc: {  	s0 =	sadd.s32 $0x8F2B, s0  }
0xbd: {  	[sflag:s0] =	ssyncadd.remote.s32 $0x1  }
0xbe: {  	_ =	sfence.sel $0xFFFF  }
0xbf: {  	[dreg:$0x0] =	wrdreg $0xFFFFFFFF;
	(pc) =	sbr.abs _section_cstart, $3  }
0xc0: {  	[dreg:$0x1] =	wrdreg $0xFFFFFFFF  }
0xc1: {  	_ =	task.clear_ibuf [dreg:s6], $0x2FFFF;
	_ =	strace $0x9FFFFFFF  }
0xc2: {  	(tm) =	ssettm $0x7FFFFFFF  }
0xc3: {  	_ =	shalt  }
tec
execute0_lowered:
.L_overlay_start_1:
0x0: {  	(tag) =	ssettag $0x1  }
0x1: {  	s3 =	rddreg [dreg:$0x0]  }
0x2: {  	s6 =	rddreg [dreg:$0x1]  }
0x3: {  	s2 =	rddreg [dreg:$0x2];
	s1 =	stileid.u32  }
0x4: {  	s0 =	rddreg [dreg:$0x3];
	s5 =	simm.s32 $0x0;
	s4 =	sshll.u32 s1, $0x7  }
0x5: {  	s7 =	simm.s32 $0x400;
	[smem:$0x7FF] =	sst s5;
	s4 =	sadd.s32 s4, s3  }
0x6: {  	s8 =	simm.s32 $0x20000;
	_ =	strace $0x80000047;
	s3 =	sadd.s32 $0x3800, s4  }
0x7: {  	[tilespmem:s5], [sflag:$0x1] =	stream.strided.gather [hbm4b:s3+s7], $0x6400, s8, s7, $0x38;
	[tilespmem:$0x10880] =	vst v63  }
0x8: {  	s9 =	simm.s32 $0x6400;
	s30 =	simm.s32 $0x1;
	s29 =	sadd.s32 $0x67800, s4  }
0x9: {  	[tilespmem:s9], [sflag:$0x2] =	stream.strided.gather [hbm4b:s29+s7], $0x6400, s8, s7, $0x38;
	[tilespmem:$0x10880] =	vst v63  }
0xa: {  	_ =	swait.ge [sflag:s30], $0x6400  }
0xb: {  	[sflag:s30] =	ssyncset.done $0x0  }
0xc: {  	s31 =	simm.s32 $0x40;
	[sflag:s30] =	ssyncadd.s32 $0xFFFF9C00  }
0xd: {  	v0 =	vld [tilespmem:s31+$0x30]  }
0xe: {  	v1 =	vld [tilespmem:s31+$0xFFFFFFC0]  }
0xf: {  	v3 =	vld [tilespmem:s31+$0xFFFFFFD0]  }
0x10: {  	v4 =	vld [tilespmem:s31+$0xFFFFFFE0];
	_ =	sdelay $0x1  }
0x11: {  	s5 =	scvt.s32.f32 s5;
	v9 =	vld [tilespmem:s31+$0xFFFFFFF0]  }
0x12: {  	v2 =	vimm.f32 $0.0e+00;
	v7 =	vimm.f32 $0.0e+00;
	v5 =	vimm.f32 $0.0e+00;
	v10 =	vld [tilespmem:s31+$0x0]  }
0x13: {  	v6 =	vimm.f32 $0.0e+00;
	v8 =	vld [tilespmem:s31+$0x10];
	v0 =	vmul.f32 s5, v0;
	v1 =	vmul.f32 s5, v1  }
0x14: {  	s7 =	simm.s32 $0xC0;
	v11 =	vld [tilespmem:s31+$0x20];
	v13 =	vmul.f32 s5, v3;
	v14 =	vmul.f32 s5, v4;
	v3 =	vimm.f32 $0.0e+00  }
0x15: {  	s3 =	sadd.s32 $0x600, s6;
	s6 =	simm.s32 $0x1;
	s8 =	simm.s32 $0x2;
	v12 =	vld [tilespmem:s7+$0x30];
	v4 =	vimm.f32 $0.0e+00;
	v0 =	vadd.f32 v0, v2;
	v1 =	vadd.f32 v1, v2  }
.LBB2_1:
0x16: {  	p0 =	sne.s32 s8, $0xC7;
	v15 =	vld [tilespmem:s7+$0xFFFFFFC0];
	v2 =	vadd.f32 v13, v2;
	v9 =	vmul.f32 s5, v9  }
0x17: {  	v13 =	vld [tilespmem:s7+$0xFFFFFFD0];
	v7 =	vadd.f32 v14, v7;
	v10 =	vmul.f32 s5, v10  }
0x18: {  	s9 =	scvt.s32.f32 s6;
	s6 =	smov.u32 s8;
	v14 =	vld [tilespmem:s7+$0xFFFFFFE0];
	v5 =	vadd.f32 v9, v5;
	v8 =	vmul.f32 s5, v8  }
.Ltmp0:
0x19: {  	v9 =	vld [tilespmem:s7+$0xFFFFFFF0];
	v6 =	vadd.f32 v10, v6;
	v11 =	vmul.f32 s5, v11;
	(pc) =	sbr.rel @p0 .LBB2_1-.Ltmp0, $4  }
0x1a: {  	s5 =	smov.u32 s9;
	v10 =	vld [tilespmem:s7+$0x0];
	v12 =	vmul.f32 s9, v12;
	v3 =	vadd.f32 v8, v3  }
0x1b: {  	v15 =	vmul.f32 s5, v15;
	v8 =	vld [tilespmem:s7+$0x10];
	v4 =	vadd.f32 v11, v4  }
0x1c: {  	v13 =	vmul.f32 s5, v13;
	v11 =	vld [tilespmem:s7+$0x20];
	v0 =	vadd.f32 v12, v0;
	s7 =	sadd.s32 $0x80, s7  }
0x1d: {  	s8 =	sadd.s32 $0x1, s8;
	v12 =	vld [tilespmem:s7+$0x30];
	v1 =	vadd.f32 v15, v1;
	v14 =	vmul.f32 s5, v14  }
0x1e: {  	v15 =	vld [tilespmem:s7+$0xFFFFFFC0]  }
0x1f: {  	v16 =	vld [tilespmem:s7+$0xFFFFFFD0]  }
0x20: {  	v17 =	vld [tilespmem:s7+$0xFFFFFFE0]  }
0x21: {  	v18 =	vld [tilespmem:s7+$0xFFFFFFF0]  }
0x22: {  	v19 =	vld [tilespmem:s7+$0x0];
	s8 =	sadd.s32 $0xCB800, s4;
	s28 =	simm.s32 $0x400  }
0x23: {  	v20 =	vld [tilespmem:s7+$0x10];
	s9 =	simm.s32 $0x20000;
	s10 =	simm.s32 $0x0;
	s29 =	simm.s32 $0x2  }
0x24: {  	v21 =	vld [tilespmem:s7+$0x20];
	[tilespmem:s10], [sflag:$0x1] =	stream.strided.gather [hbm4b:s8+s28], $0x6400, s9, s28, $0x38  }
0x25: {  	v9 =	vmul.f32 s5, v9;
	_ =	swait.ge [sflag:s29], $0x6400  }
0x26: {  	v13 =	vadd.f32 v13, v2;
	s30 =	scvt.s32.f32 s6;
	v7 =	vadd.f32 v14, v7;
	v2 =	vmul.f32 s5, v10;
	[sflag:s29] =	ssyncset.done $0x0  }
0x27: {  	s31 =	simm.s32 $0x0;
	v5 =	vadd.f32 v9, v5;
	v8 =	vmul.f32 s5, v8;
	v9 =	vmul.f32 s5, v11;
	[sflag:s29] =	ssyncadd.s32 $0xFFFF9C00  }
0x28: {  	v6 =	vadd.f32 v2, v6;
	v2 =	vmul.f32 s30, v12;
	v10 =	vmul.f32 s30, v15;
	v11 =	vld [tilespmem:s31+$0x6470]  }
0x29: {  	v3 =	vadd.f32 v8, v3;
	v14 =	vadd.f32 v9, v4;
	v4 =	vmul.f32 s30, v16;
	v15 =	vld [tilespmem:s31+$0x6400]  }
0x2a: {  	s6 =	simm.s32 $0xC8;
	v63 =	vld [tilespmem:s31+$0x6410];
	v62 =	vadd.f32 v2, v0;
	v2 =	vadd.f32 v10, v1;
	v1 =	vmul.f32 s30, v17  }
0x2b: {  	s5 =	scvt.s32.f32 s6;
	v8 =	vld [tilespmem:s31+$0x6420];
	v0 =	vadd.f32 v4, v13;
	v4 =	vmul.f32 s30, v18;
	v10 =	vmul.f32 s30, v19  }
0x2c: {  	v9 =	vld [tilespmem:s31+$0x6430];
	v13 =	vmul.f32 s30, v21;
	v7 =	vadd.f32 v1, v7;
	v1 =	vmul.f32 s30, v20  }
0x2d: {  	v12 =	vld [tilespmem:s31+$0x6440];
	v4 =	vadd.f32 v4, v5;
	v5 =	vadd.f32 v10, v6;
	v6 =	vmul.f32 s5, v11  }
0x2e: {  	v10 =	vld [tilespmem:s31+$0x6450];
	v3 =	vadd.f32 v1, v3;
	v1 =	vadd.f32 v13, v14;
	v14 =	vmul.f32 s5, v15  }
0x2f: {  	s7 =	simm.s32 $0x80;
	s8 =	simm.s32 $0x400;
	v11 =	vld [tilespmem:s31+$0x6460];
	v13 =	vmul.f32 s5, v63;
	v6 =	vadd.f32 v6, v62  }
.LBB2_3:
0x30: {  	p0 =	sne.s32 s8, $0x18E00;
	v15 =	vld [tilespmem:s7+$0x6470];
	v2 =	vadd.f32 v14, v2;
	v8 =	vmul.f32 s5, v8  }
0x31: {  	v14 =	vld [tilespmem:s7+$0x6400];
	v0 =	vadd.f32 v13, v0;
	v9 =	vmul.f32 s5, v9  }
0x32: {  	s6 =	sadd.s32 $0x1, s6;
	v13 =	vld [tilespmem:s7+$0x6410];
	v7 =	vadd.f32 v8, v7;
	v12 =	vmul.f32 s5, v12  }
.Ltmp1:
0x33: {  	s9 =	scvt.s32.f32 s6;
	v8 =	vld [tilespmem:s7+$0x6420];
	v4 =	vadd.f32 v9, v4;
	v10 =	vmul.f32 s5, v10;
	(pc) =	sbr.rel @p0 .LBB2_3-.Ltmp1, $4  }
0x34: {  	v9 =	vld [tilespmem:s7+$0x6430];
	v5 =	vadd.f32 v12, v5;
	v11 =	vmul.f32 s5, v11  }
0x35: {  	s5 =	smov.u32 s9;
	v12 =	vld [tilespmem:s7+$0x6440];
	v15 =	vmul.f32 s9, v15;
	v3 =	vadd.f32 v10, v3  }
0x36: {  	v14 =	vmul.f32 s5, v14;
	v10 =	vld [tilespmem:s7+$0x6450];
	v1 =	vadd.f32 v11, v1  }
0x37: {  	v13 =	vmul.f32 s5, v13;
	v11 =	vld [tilespmem:s7+$0x6460];
	s7 =	sshra.s32 s8, $0x2;
	s8 =	sadd.s32 $0x200, s8;
	v6 =	vadd.f32 v15, v6  }
0x38: {  	v15 =	vld [tilespmem:s7+$0x6470]  }
0x39: {  	v16 =	vld [tilespmem:s7+$0x6400]  }
0x3a: {  	v17 =	vld [tilespmem:s7+$0x6410]  }
0x3b: {  	v18 =	vld [tilespmem:s7+$0x6420]  }
0x3c: {  	v19 =	vld [tilespmem:s7+$0x6430]  }
0x3d: {  	v20 =	vld [tilespmem:s7+$0x6440];
	s8 =	sadd.s32 $0x12F800, s4;
	s28 =	simm.s32 $0x400  }
0x3e: {  	v21 =	vld [tilespmem:s7+$0x6450];
	s9 =	simm.s32 $0x20000;
	s10 =	simm.s32 $0x6400;
	s29 =	simm.s32 $0x1  }
0x3f: {  	v22 =	vld [tilespmem:s7+$0x6460];
	[tilespmem:s10], [sflag:$0x2] =	stream.strided.gather [hbm4b:s8+s28], $0x6400, s9, s28, $0x38  }
0x40: {  	v8 =	vmul.f32 s5, v8;
	_ =	swait.ge [sflag:s29], $0x6400  }
0x41: {  	v2 =	vadd.f32 v14, v2;
	s6 =	sadd.s32 $0x1, s6;
	v9 =	vmul.f32 s5, v9;
	v12 =	vmul.f32 s5, v12;
	[sflag:s29] =	ssyncset.done $0x0  }
0x42: {  	s30 =	simm.s32 $0x40;
	v0 =	vadd.f32 v13, v0;
	s6 =	scvt.s32.f32 s6;
	v7 =	vadd.f32 v8, v7;
	v8 =	vmul.f32 s5, v10;
	[sflag:s29] =	ssyncadd.s32 $0xFFFF9C00  }
0x43: {  	v9 =	vadd.f32 v9, v4;
	v10 =	vadd.f32 v12, v5;
	v4 =	vmul.f32 s5, v11;
	v11 =	vld [tilespmem:s30+$0x30]  }
0x44: {  	v5 =	vmul.f32 s6, v15;
	v12 =	vadd.f32 v8, v3;
	v3 =	vmul.f32 s6, v16;
	v13 =	vld [tilespmem:s30+$0xFFFFFFC0]  }
0x45: {  	v15 =	vld [tilespmem:s30+$0xFFFFFFD0];
	v14 =	vadd.f32 v4, v1;
	v1 =	vmul.f32 s6, v17;
	v4 =	vmul.f32 s6, v18  }
0x46: {  	s31 =	simm.s32 $0x190;
	v62 =	vld [tilespmem:s30+$0xFFFFFFE0];
	v6 =	vadd.f32 v5, v6;
	v16 =	vadd.f32 v3, v2;
	v2 =	vmul.f32 s6, v19  }
0x47: {  	s5 =	scvt.s32.f32 s31;
	v8 =	vld [tilespmem:s30+$0xFFFFFFF0];
	v3 =	vadd.f32 v1, v0;
	v4 =	vadd.f32 v4, v7;
	v0 =	vmul.f32 s6, v20  }
0x48: {  	v1 =	vmul.f32 s6, v21;
	v5 =	vadd.f32 v2, v9;
	v2 =	vmul.f32 s6, v22;
	v9 =	vld [tilespmem:s30+$0x0]  }
0x49: {  	v0 =	vadd.f32 v0, v10;
	v7 =	vmul.f32 s5, v11;
	v63 =	vmul.f32 s5, v13;
	v10 =	vld [tilespmem:s30+$0x10]  }
0x4a: {  	s7 =	simm.s32 $0xC0;
	v1 =	vadd.f32 v1, v12;
	v13 =	vmul.f32 s5, v15;
	v11 =	vld [tilespmem:s30+$0x20];
	v2 =	vadd.f32 v2, v14  }
0x4b: {  	s8 =	simm.s32 $0x192;
	s6 =	simm.s32 $0x191;
	v12 =	vld [tilespmem:s7+$0x30];
	v14 =	vmul.f32 s5, v62;
	v6 =	vadd.f32 v7, v6;
	v7 =	vadd.f32 v63, v16  }
.LBB2_5:
0x4c: {  	p0 =	sne.s32 s8, $0x257;
	v15 =	vld [tilespmem:s7+$0xFFFFFFC0];
	v3 =	vadd.f32 v13, v3;
	v8 =	vmul.f32 s5, v8  }
0x4d: {  	v13 =	vld [tilespmem:s7+$0xFFFFFFD0];
	v4 =	vadd.f32 v14, v4;
	v9 =	vmul.f32 s5, v9  }
0x4e: {  	s9 =	scvt.s32.f32 s6;
	s6 =	smov.u32 s8;
	v14 =	vld [tilespmem:s7+$0xFFFFFFE0];
	v5 =	vadd.f32 v8, v5;
	v10 =	vmul.f32 s5, v10  }
.Ltmp2:
0x4f: {  	v8 =	vld [tilespmem:s7+$0xFFFFFFF0];
	v0 =	vadd.f32 v9, v0;
	v11 =	vmul.f32 s5, v11;
	(pc) =	sbr.rel @p0 .LBB2_5-.Ltmp2, $4  }
0x50: {  	s5 =	smov.u32 s9;
	v9 =	vld [tilespmem:s7+$0x0];
	v12 =	vmul.f32 s9, v12;
	v1 =	vadd.f32 v10, v1  }
0x51: {  	v15 =	vmul.f32 s5, v15;
	v10 =	vld [tilespmem:s7+$0x10];
	v2 =	vadd.f32 v11, v2  }
0x52: {  	v13 =	vmul.f32 s5, v13;
	v11 =	vld [tilespmem:s7+$0x20];
	v6 =	vadd.f32 v12, v6;
	s7 =	sadd.s32 $0x80, s7  }
0x53: {  	s8 =	sadd.s32 $0x1, s8;
	v12 =	vld [tilespmem:s7+$0x30];
	v7 =	vadd.f32 v15, v7;
	v14 =	vmul.f32 s5, v14  }
0x54: {  	v15 =	vld [tilespmem:s7+$0xFFFFFFC0]  }
0x55: {  	v16 =	vld [tilespmem:s7+$0xFFFFFFD0]  }
0x56: {  	v17 =	vld [tilespmem:s7+$0xFFFFFFE0]  }
0x57: {  	v18 =	vld [tilespmem:s7+$0xFFFFFFF0]  }
0x58: {  	v19 =	vld [tilespmem:s7+$0x0];
	s4 =	sadd.s32 $0x193800, s4;
	s29 =	simm.s32 $0x400  }
0x59: {  	v20 =	vld [tilespmem:s7+$0x10];
	s8 =	simm.s32 $0x20000;
	s9 =	simm.s32 $0x0;
	s30 =	simm.s32 $0x2  }
0x5a: {  	v21 =	vld [tilespmem:s7+$0x20];
	[tilespmem:s9], [sflag:$0x1] =	stream.strided.gather [hbm4b:s4+s29], $0x6400, s8, s29, $0x38  }
0x5b: {  	v8 =	vmul.f32 s5, v8;
	_ =	swait.ge [sflag:s30], $0x6400  }
0x5c: {  	v3 =	vadd.f32 v13, v3;
	s6 =	scvt.s32.f32 s6;
	v4 =	vadd.f32 v14, v4;
	v9 =	vmul.f32 s5, v9;
	[sflag:s30] =	ssyncset.done $0x0  }
0x5d: {  	s31 =	simm.s32 $0x0;
	v5 =	vadd.f32 v8, v5;
	v8 =	vmul.f32 s5, v10;
	v10 =	vmul.f32 s5, v11;
	[sflag:s30] =	ssyncadd.s32 $0xFFFF9C00  }
0x5e: {  	v11 =	vadd.f32 v9, v0;
	v0 =	vmul.f32 s6, v12;
	v9 =	vmul.f32 s6, v15;
	v13 =	vld [tilespmem:s31+$0x6470]  }
0x5f: {  	v1 =	vadd.f32 v8, v1;
	v10 =	vadd.f32 v10, v2;
	v8 =	vmul.f32 s6, v16;
	v14 =	vld [tilespmem:s31+$0x6400]  }
0x60: {  	s5 =	simm.s32 $0x258;
	v15 =	vld [tilespmem:s31+$0x6410];
	v12 =	vmul.f32 s6, v19;
	v2 =	vadd.f32 v9, v7;
	v7 =	vmul.f32 s6, v17  }
0x61: {  	s4 =	scvt.s32.f32 s5;
	v6 =	vadd.f32 v0, v6;
	v0 =	vadd.f32 v8, v3;
	v3 =	vmul.f32 s6, v18;
	v8 =	vld [tilespmem:s31+$0x6420]  }
0x62: {  	v61 =	vmul.f32 s6, v20;
	v62 =	vmul.f32 s6, v21;
	v9 =	vld [tilespmem:s31+$0x6430];
	v7 =	vadd.f32 v7, v4  }
0x63: {  	v4 =	vadd.f32 v3, v5;
	v5 =	vadd.f32 v12, v11;
	v12 =	vld [tilespmem:s31+$0x6440];
	v63 =	vmul.f32 s4, v13  }
0x64: {  	v3 =	vadd.f32 v61, v1;
	v1 =	vadd.f32 v62, v10;
	v10 =	vld [tilespmem:s31+$0x6450];
	v14 =	vmul.f32 s4, v14  }
0x65: {  	s7 =	simm.s32 $0x400;
	s6 =	simm.s32 $0x80;
	v11 =	vld [tilespmem:s31+$0x6460];
	v13 =	vmul.f32 s4, v15;
	v6 =	vadd.f32 v63, v6  }
.LBB2_7:
0x66: {  	p0 =	sne.s32 s7, $0x18E00;
	v15 =	vld [tilespmem:s6+$0x6470];
	v2 =	vadd.f32 v14, v2;
	v8 =	vmul.f32 s4, v8  }
0x67: {  	v14 =	vld [tilespmem:s6+$0x6400];
	v0 =	vadd.f32 v13, v0;
	v9 =	vmul.f32 s4, v9  }
0x68: {  	s5 =	sadd.s32 $0x1, s5;
	v13 =	vld [tilespmem:s6+$0x6410];
	v7 =	vadd.f32 v8, v7;
	v12 =	vmul.f32 s4, v12  }
.Ltmp3:
0x69: {  	s8 =	scvt.s32.f32 s5;
	v8 =	vld [tilespmem:s6+$0x6420];
	v4 =	vadd.f32 v9, v4;
	v10 =	vmul.f32 s4, v10;
	(pc) =	sbr.rel @p0 .LBB2_7-.Ltmp3, $4  }
0x6a: {  	v9 =	vld [tilespmem:s6+$0x6430];
	v5 =	vadd.f32 v12, v5;
	v11 =	vmul.f32 s4, v11  }
0x6b: {  	s4 =	smov.u32 s8;
	v12 =	vld [tilespmem:s6+$0x6440];
	v15 =	vmul.f32 s8, v15;
	v3 =	vadd.f32 v10, v3  }
0x6c: {  	v14 =	vmul.f32 s4, v14;
	v10 =	vld [tilespmem:s6+$0x6450];
	v1 =	vadd.f32 v11, v1  }
0x6d: {  	v13 =	vmul.f32 s4, v13;
	v11 =	vld [tilespmem:s6+$0x6460];
	s6 =	sshra.s32 s7, $0x2;
	s7 =	sadd.s32 $0x200, s7;
	v6 =	vadd.f32 v15, v6  }
0x6e: {  	v15 =	vld [tilespmem:s6+$0x6470]  }
0x6f: {  	v16 =	vld [tilespmem:s6+$0x6400]  }
0x70: {  	v17 =	vld [tilespmem:s6+$0x6410]  }
0x71: {  	v18 =	vld [tilespmem:s6+$0x6420]  }
0x72: {  	v19 =	vld [tilespmem:s6+$0x6430]  }
0x73: {  	v20 =	vld [tilespmem:s6+$0x6440]  }
0x74: {  	v21 =	vld [tilespmem:s6+$0x6450];
	s29 =	simm.s32 $0x1  }
0x75: {  	v22 =	vld [tilespmem:s6+$0x6460];
	v8 =	vmul.f32 s4, v8;
	_ =	swait.ge [sflag:s29], $0x6400  }
0x76: {  	v2 =	vadd.f32 v14, v2;
	s5 =	sadd.s32 $0x1, s5;
	v9 =	vmul.f32 s4, v9;
	v12 =	vmul.f32 s4, v12;
	[sflag:s29] =	ssyncset.done $0x0  }
0x77: {  	s30 =	simm.s32 $0x40;
	v0 =	vadd.f32 v13, v0;
	s5 =	scvt.s32.f32 s5;
	v7 =	vadd.f32 v8, v7;
	v8 =	vmul.f32 s4, v10;
	[sflag:s29] =	ssyncadd.s32 $0xFFFF9C00  }
0x78: {  	v4 =	vadd.f32 v9, v4;
	v5 =	vadd.f32 v12, v5;
	v9 =	vmul.f32 s4, v11;
	v10 =	vld [tilespmem:s30+$0x30]  }
0x79: {  	v12 =	vld [tilespmem:s30+$0xFFFFFFC0];
	v11 =	vmul.f32 s5, v15;
	v13 =	vadd.f32 v8, v3;
	v3 =	vmul.f32 s5, v16  }
0x7a: {  	v8 =	vmul.f32 s5, v18;
	v15 =	vld [tilespmem:s30+$0xFFFFFFD0];
	v14 =	vadd.f32 v9, v1;
	v1 =	vmul.f32 s5, v17  }
0x7b: {  	s31 =	simm.s32 $0x320;
	v62 =	vld [tilespmem:s30+$0xFFFFFFE0];
	v60 =	vadd.f32 v11, v6;
	v61 =	vadd.f32 v3, v2;
	v2 =	vmul.f32 s5, v19  }
0x7c: {  	s4 =	scvt.s32.f32 s31;
	v3 =	vadd.f32 v1, v0;
	v1 =	vadd.f32 v8, v7;
	v0 =	vmul.f32 s5, v20;
	v8 =	vld [tilespmem:s30+$0xFFFFFFF0]  }
0x7d: {  	v9 =	vld [tilespmem:s30+$0x0];
	v6 =	vmul.f32 s5, v21;
	v7 =	vmul.f32 s5, v22;
	v2 =	vadd.f32 v2, v4  }
0x7e: {  	v63 =	vmul.f32 s4, v12;
	v12 =	vld [tilespmem:s30+$0x10];
	v4 =	vadd.f32 v0, v5;
	v0 =	vmul.f32 s4, v10  }
0x7f: {  	v11 =	vld [tilespmem:s30+$0x20];
	s5 =	simm.s32 $0xC0;
	v6 =	vadd.f32 v6, v13;
	v5 =	vadd.f32 v7, v14;
	v13 =	vmul.f32 s4, v15  }
0x80: {  	s6 =	simm.s32 $0x321;
	s7 =	simm.s32 $0x322;
	v10 =	vld [tilespmem:s5+$0x30];
	v14 =	vmul.f32 s4, v62;
	v7 =	vadd.f32 v63, v61;
	v0 =	vadd.f32 v0, v60  }
.LBB2_9:
0x81: {  	p0 =	sne.s32 s7, $0x3E7;
	v15 =	vld [tilespmem:s5+$0xFFFFFFC0];
	v3 =	vadd.f32 v13, v3;
	v8 =	vmul.f32 s4, v8  }
0x82: {  	v13 =	vld [tilespmem:s5+$0xFFFFFFD0];
	v1 =	vadd.f32 v14, v1;
	v9 =	vmul.f32 s4, v9  }
0x83: {  	s8 =	scvt.s32.f32 s6;
	s6 =	smov.u32 s7;
	v14 =	vld [tilespmem:s5+$0xFFFFFFE0];
	v2 =	vadd.f32 v8, v2;
	v12 =	vmul.f32 s4, v12  }
.Ltmp4:
0x84: {  	v8 =	vld [tilespmem:s5+$0xFFFFFFF0];
	v4 =	vadd.f32 v9, v4;
	v11 =	vmul.f32 s4, v11;
	(pc) =	sbr.rel @p0 .LBB2_9-.Ltmp4, $4  }
0x85: {  	s4 =	smov.u32 s8;
	v9 =	vld [tilespmem:s5+$0x0];
	v10 =	vmul.f32 s8, v10;
	v6 =	vadd.f32 v12, v6  }
0x86: {  	v15 =	vmul.f32 s4, v15;
	v12 =	vld [tilespmem:s5+$0x10];
	v5 =	vadd.f32 v11, v5  }
0x87: {  	v13 =	vmul.f32 s4, v13;
	v11 =	vld [tilespmem:s5+$0x20];
	v0 =	vadd.f32 v10, v0;
	s5 =	sadd.s32 $0x80, s5  }
0x88: {  	s7 =	sadd.s32 $0x1, s7;
	v10 =	vld [tilespmem:s5+$0x30];
	v7 =	vadd.f32 v15, v7;
	v14 =	vmul.f32 s4, v14  }
0x89: {  	v15 =	vld [tilespmem:s5+$0xFFFFFFC0]  }
0x8a: {  	v16 =	vld [tilespmem:s5+$0xFFFFFFD0]  }
0x8b: {  	v17 =	vld [tilespmem:s5+$0xFFFFFFE0]  }
0x8c: {  	v18 =	vld [tilespmem:s5+$0xFFFFFFF0]  }
0x8d: {  	v8 =	vmul.f32 s4, v8;
	v19 =	vld [tilespmem:s5+$0x0]  }
0x8e: {  	v3 =	vadd.f32 v13, v3;
	s6 =	scvt.s32.f32 s6;
	v48 =	vld [tilespmem:s5+$0x10];
	v9 =	vmul.f32 s4, v9;
	v12 =	vmul.f32 s4, v12  }
0x8f: {  	v50 =	vld [tilespmem:s5+$0x20];
	v1 =	vadd.f32 v14, v1;
	v2 =	vadd.f32 v8, v2;
	v49 =	vmul.f32 s4, v11  }
0x90: {  	v4 =	vadd.f32 v9, v4;
	v6 =	vadd.f32 v12, v6;
	v52 =	vmul.f32 s6, v10  }
0x91: {  	v51 =	vmul.f32 s6, v15;
	v5 =	vadd.f32 v49, v5;
	v53 =	vmul.f32 s6, v16  }
0x92: {  	v54 =	vmul.f32 s6, v17;
	v55 =	vmul.f32 s6, v18;
	v0 =	vadd.f32 v52, v0  }
0x93: {  	v56 =	vmul.f32 s6, v19;
	v13 =	vmul.f32 s6, v48;
	v7 =	vadd.f32 v51, v7  }
0x94: {  	v57 =	vmul.f32 s6, v50;
	v3 =	vadd.f32 v53, v3;
	v0 =	vtrunc.f32 v0  }
0x95: {  	v1 =	vadd.f32 v54, v1;
	v7 =	vtrunc.f32 v7;
	v0 =	vcvt.f32.s32 v0  }
0x96: {  	v2 =	vadd.f32 v55, v2;
	v3 =	vtrunc.f32 v3;
	v7 =	vcvt.f32.s32 v7  }
0x97: {  	v4 =	vadd.f32 v56, v4;
	v1 =	vtrunc.f32 v1;
	v3 =	vcvt.f32.s32 v3;
	[tilespmem:$0xC870] =	vst v0  }
0x98: {  	v6 =	vadd.f32 v13, v6;
	v2 =	vtrunc.f32 v2;
	v1 =	vcvt.f32.s32 v1;
	[tilespmem:$0xC800] =	vst v7  }
0x99: {  	v5 =	vadd.f32 v57, v5;
	v58 =	vtrunc.f32 v4;
	v2 =	vcvt.f32.s32 v2;
	[tilespmem:$0xC810] =	vst v3  }
0x9a: {  	v60 =	vtrunc.f32 v6;
	v59 =	vcvt.f32.s32 v58;
	[tilespmem:$0xC820] =	vst v1  }
0x9b: {  	v62 =	vtrunc.f32 v5;
	v61 =	vcvt.f32.s32 v60;
	[tilespmem:$0xC830] =	vst v2  }
0x9c: {  	v63 =	vcvt.f32.s32 v62;
	[tilespmem:$0xC840] =	vst v59  }
0x9d: {  	s24 =	simm.s32 $0x80;
	[tilespmem:$0xC850] =	vst v61  }
0x9e: {  	s25 =	simm.s32 $0xC800;
	s26 =	simm.s32 $0xC880;
	s28 =	simm.s32 $0x3;
	[tilespmem:$0xC860] =	vst v63  }
0x9f: {  	[tilespmem:s26], [sflag:$0x3] =	stream.indirect.gather [hbm4b:s3+s24], $0x80, s25, s24, $0xb8;
	[tilespmem:$0x10880] =	vst v63  }
0xa0: {  	_ =	swait.ge [sflag:s28], $0x4000  }
0xa1: {  	s29 =	sshll.u32 s1, $0xB;
	s30 =	simm.s32 $0x0;
	[sflag:s28] =	ssyncset.done $0x0  }
0xa2: {  	s31 =	simm.s32 $0x4;
	s2 =	sadd.s32 s2, s29;
	[sflag:s28] =	ssyncadd.s32 $0xFFFFC000  }
0xa3: {  	[hbm4b:s2+s30] =	stream.linear.scatter [tilespmem:s26], [sflag:$0x4], $0x4000, $0x38;
	[tilespmem:$0x10880] =	vst v63  }
0xa4: {  	_ =	swait.ge [sflag:s31], $0x4000  }
0xa5: {  	[sflag:s31] =	ssyncset.done $0x0  }
0xa6: {  	[sflag:s31] =	ssyncadd.s32 $0xFFFFC000  }
0xa7: {  	_ =	sfence.sel $0x180000  }
0xa8: {  	[bflag:$0x0] =	sbarrier.arrive $0xFFFF  }
0xa9: {  	p0 =	sne.s32 s1, $0x0;
	_ =	strace $0x90000047  }
0xaa: {  	s0 =	sadd.s32 @!p0 $0x100000, s0;
	[bflag:$0x2] =	sbarrier.arrive $0xFFFF  }
0xab: {  	[sflag:s0] =	ssyncadd.tile.s32 @!p0 $0x1;
	_ =	shalt  }
.Lfunc_end2:
_tile_overlayer_lowered:
.L_overlay_start_2:
0xac: {  	(tag) =	ssettag $0x2  }
0xad: {  	s0 =	rddreg [dreg:$0x0];
	s2 =	stileid.u32  }
0xae: {  	s1 =	rddreg [dreg:$0x1];
	p0 =	sne.s32 s2, $0x0  }
0xaf: {  	s3 =	rddreg [dreg:$0x2];
	[bflag:$0x3] =	sbarrier.arrive $0xFFFF;
	s2 =	simm.s32 @!p0 $0x1C04  }
0xb0: {  	[timem:s3], [sflag:s2] =	dma.local @!p0 [hbm:s0], s1  }
0xb1: {  	s0 =	simm.s32 @!p0 $0x4  }
0xb2: {  	_ =	swait.ge @!p0 [sflag:s0], s1  }
0xb3: {  	s1 =	ssub.s32 @!p0 $0x0, s1;
	[sflag:s0] =	ssyncset.done @!p0 $0x0  }
0xb4: {  	[sflag:s0] =	ssyncadd.s32 @!p0 s1  }
0xb5: {  	[bflag:$0x3] =	sbarrier.arrive $0xFFFF  }
0xb6: {  	_ =	shalt  }

</sc_bundles>
